<compile_context>
chip_gen: v7x
topology: tpu7x:2x2x1
jax: 0.10.2.dev20260603
libtpu: 0.0.44.dev20260713+nightly
codegen_flags: <defaults>
</compile_context>

<pallas_src>
import functools

import jax
import jax.numpy as jnp
from jax import lax
from jax.experimental import pallas as pl
from jax.experimental.pallas import tpu as pltpu
from jax.experimental.pallas import tpu_sc as plsc

N = 10000
E = 320000
D_IN = 166
D_H = 128
D_OUT = 2

NP = 10240
KP = 176
DP = 16

NC = 2
NS = 16
NW = NC * NS

CH = 128
EP = 327680
EPW = EP // NW
NCHW = EPW // CH
SB1 = 2
SBCH = NCHW // SB1
STRIPE = NP // NS

BN = 1024
GRID = NP // BN


def _tc_a_body(x_ref, wl_ref, wr_ref, b_ref, y1_ref, r1_ref):
    x = x_ref[...]
    y1_ref[...] = jnp.dot(x, wl_ref[...], preferred_element_type=jnp.float32)
    r1_ref[...] = (
        jnp.dot(x, wr_ref[...], preferred_element_type=jnp.float32) + b_ref[...]
    )


def _tc_a(xp, wl, wr, b):
    return pl.pallas_call(
        _tc_a_body,
        grid=(GRID,),
        in_specs=[
            pl.BlockSpec((BN, KP), lambda i: (i, 0)),
            pl.BlockSpec((KP, D_H), lambda i: (0, 0)),
            pl.BlockSpec((KP, D_H), lambda i: (0, 0)),
            pl.BlockSpec((1, D_H), lambda i: (0, 0)),
        ],
        out_specs=[
            pl.BlockSpec((BN, D_H), lambda i: (i, 0)),
            pl.BlockSpec((BN, D_H), lambda i: (i, 0)),
        ],
        out_shape=[
            jax.ShapeDtypeStruct((NP, D_H), jnp.float32),
            jax.ShapeDtypeStruct((NP, D_H), jnp.float32),
        ],
    )(xp, wl, wr, b)


def _sc_b_body(y1_hbm, src_hbm, dst_hbm, z128_hbm,
               agg_out,
               srcm, dstm, rows0, rows1, agg_sh, sem0, sem1):
    c = lax.axis_index("c")
    s = lax.axis_index("s")
    wid = s * NC + c
    pltpu.sync_copy(z128_hbm, agg_sh.at[pl.ds(s * STRIPE, STRIPE)])
    plsc.subcore_barrier()

    for sb in range(SB1):
        rb = wid * NCHW + sb * SBCH
        pltpu.sync_copy(src_hbm.at[pl.ds(rb, SBCH)], srcm)
        pltpu.sync_copy(dst_hbm.at[pl.ds(rb, SBCH)], dstm)
        pltpu.async_copy(y1_hbm.at[srcm.at[0]], rows0, sem0)

        def body(k, carry):
            pltpu.async_copy(y1_hbm.at[srcm.at[2 * k + 1]], rows1, sem1)
            pltpu.make_async_copy(y1_hbm.at[srcm.at[2 * k]], rows0, sem0).wait()
            pltpu.sync_copy(rows0, agg_sh.at[dstm.at[2 * k]], add=True)

            @pl.when(k < SBCH // 2 - 1)
            def _():
                pltpu.async_copy(y1_hbm.at[srcm.at[2 * k + 2]], rows0, sem0)

            pltpu.make_async_copy(y1_hbm.at[srcm.at[2 * k + 1]], rows1,
                                  sem1).wait()
            pltpu.sync_copy(rows1, agg_sh.at[dstm.at[2 * k + 1]], add=True)
            return carry

        lax.fori_loop(0, SBCH // 2, body, 0)

    plsc.subcore_barrier()
    pltpu.sync_copy(agg_sh.at[pl.ds(s * STRIPE, STRIPE)],
                    agg_out.at[c, pl.ds(s * STRIPE, STRIPE)])


_sc_b = functools.partial(
    pl.kernel,
    mesh=plsc.VectorSubcoreMesh(core_axis_name="c", subcore_axis_name="s"),
    out_type=jax.ShapeDtypeStruct((NC, NP, D_H), jnp.float32),
    scratch_types=[
        pltpu.VMEM((SBCH, CH), jnp.int32),
        pltpu.VMEM((SBCH, CH), jnp.int32),
        pltpu.VMEM((CH, D_H), jnp.float32),
        pltpu.VMEM((CH, D_H), jnp.float32),
        pltpu.VMEM_SHARED((NP, D_H), jnp.float32),
        pltpu.SemaphoreType.DMA,
        pltpu.SemaphoreType.DMA,
    ],
)(_sc_b_body)


def _sc_cnt_body(dst_hbm,
                 cnt_out,
                 dstm, ones_v, cnt_sh, sem):
    c = lax.axis_index("c")
    s = lax.axis_index("s")
    wid = s * NC + c

    def fill0(i, carry):
        ones_v[i] = jnp.zeros((DP,), jnp.float32)
        return carry

    lax.fori_loop(0, CH, fill0, 0)
    for j in range(STRIPE // CH):
        pltpu.sync_copy(ones_v,
                        cnt_sh.at[pl.ds(s * STRIPE + j * CH, CH)])

    def fill1(i, carry):
        ones_v[i] = jnp.ones((DP,), jnp.float32)
        return carry

    lax.fori_loop(0, CH, fill1, 0)
    pltpu.sync_copy(dst_hbm.at[pl.ds(wid * NCHW, NCHW)], dstm)
    plsc.subcore_barrier()

    def body(g, carry):
        pltpu.async_copy(ones_v, cnt_sh.at[dstm.at[g]], sem, add=True)
        return carry

    lax.fori_loop(0, NCHW, body, 0)

    def drain(g, carry):
        pltpu.make_async_copy(ones_v, cnt_sh.at[dstm.at[0]], sem).wait()
        return carry

    lax.fori_loop(0, NCHW, drain, 0)
    plsc.subcore_barrier()
    pltpu.sync_copy(cnt_sh.at[pl.ds(s * STRIPE, STRIPE)],
                    cnt_out.at[c, pl.ds(s * STRIPE, STRIPE)])


_sc_cnt = functools.partial(
    pl.kernel,
    mesh=plsc.VectorSubcoreMesh(core_axis_name="c", subcore_axis_name="s"),
    out_type=jax.ShapeDtypeStruct((NC, NP, DP), jnp.float32),
    compiler_params=pltpu.CompilerParams(use_tc_tiling_on_sc=False),
    scratch_types=[
        pltpu.VMEM((NCHW, CH), jnp.int32),
        pltpu.VMEM((CH, DP), jnp.float32),
        pltpu.VMEM_SHARED((NP, DP), jnp.float32),
        pltpu.SemaphoreType.DMA,
    ],
)(_sc_cnt_body)


def _tc_c_body(agg_ref, cnt_ref, r1_ref, wl_ref, wr_ref, b_ref,
               y2_ref, r2_ref):
    cnt = cnt_ref[0, :, 0:1] + cnt_ref[1, :, 0:1]
    mean = (agg_ref[0] + agg_ref[1]) / jnp.maximum(cnt, 1.0)
    h = jnp.maximum(mean + r1_ref[...], 0.0)
    y2_ref[...] = jnp.dot(h, wl_ref[...], preferred_element_type=jnp.float32)
    r2_ref[...] = (
        jnp.dot(h, wr_ref[...], preferred_element_type=jnp.float32) + b_ref[...]
    )


def _tc_c(aggp, cntp, r1, wl, wr, b):
    return pl.pallas_call(
        _tc_c_body,
        grid=(GRID,),
        in_specs=[
            pl.BlockSpec((NC, BN, D_H), lambda i: (0, i, 0)),
            pl.BlockSpec((NC, BN, DP), lambda i: (0, i, 0)),
            pl.BlockSpec((BN, D_H), lambda i: (i, 0)),
            pl.BlockSpec((D_H, DP), lambda i: (0, 0)),
            pl.BlockSpec((D_H, DP), lambda i: (0, 0)),
            pl.BlockSpec((1, DP), lambda i: (0, 0)),
        ],
        out_specs=[
            pl.BlockSpec((BN, DP), lambda i: (i, 0)),
            pl.BlockSpec((BN, DP), lambda i: (i, 0)),
        ],
        out_shape=[
            jax.ShapeDtypeStruct((NP, DP), jnp.float32),
            jax.ShapeDtypeStruct((NP, DP), jnp.float32),
        ],
    )(aggp, cntp, r1, wl, wr, b)


CHD = 512
NCHD = EPW // CHD


def _sc_d_body(y2_hbm, src_hbm, dst_hbm,
               acc_out,
               srcm, dstm, rows0, rows1, acc_sh, sem0, sem1):
    c = lax.axis_index("c")
    s = lax.axis_index("s")
    wid = s * NC + c

    def fill0(i, carry):
        rows0[i] = jnp.zeros((DP,), jnp.float32)
        return carry

    lax.fori_loop(0, CHD, fill0, 0)
    for j in range(STRIPE // CHD):
        pltpu.sync_copy(rows0.at[pl.ds(0, CHD)],
                        acc_sh.at[pl.ds(s * STRIPE + j * CHD, CHD)])
    pltpu.sync_copy(rows0.at[pl.ds(0, STRIPE - (STRIPE // CHD) * CHD)],
                    acc_sh.at[pl.ds(s * STRIPE + (STRIPE // CHD) * CHD,
                                    STRIPE - (STRIPE // CHD) * CHD)])
    plsc.subcore_barrier()

    rb = wid * NCHD
    pltpu.sync_copy(src_hbm.at[pl.ds(rb, NCHD)], srcm)
    pltpu.sync_copy(dst_hbm.at[pl.ds(rb, NCHD)], dstm)
    pltpu.async_copy(y2_hbm.at[srcm.at[0]], rows0, sem0)

    def body(k, carry):
        pltpu.async_copy(y2_hbm.at[srcm.at[2 * k + 1]], rows1, sem1)
        pltpu.make_async_copy(y2_hbm.at[srcm.at[2 * k]], rows0,
                              sem0).wait()
        pltpu.sync_copy(rows0, acc_sh.at[dstm.at[2 * k]], add=True)

        @pl.when(k < NCHD // 2 - 1)
        def _():
            pltpu.async_copy(y2_hbm.at[srcm.at[2 * k + 2]], rows0, sem0)

        pltpu.make_async_copy(y2_hbm.at[srcm.at[2 * k + 1]], rows1,
                              sem1).wait()
        pltpu.sync_copy(rows1, acc_sh.at[dstm.at[2 * k + 1]], add=True)
        return carry

    lax.fori_loop(0, NCHD // 2, body, 0)
    plsc.subcore_barrier()
    pltpu.sync_copy(acc_sh.at[pl.ds(s * STRIPE, STRIPE)],
                    acc_out.at[c, pl.ds(s * STRIPE, STRIPE)])


_sc_d = functools.partial(
    pl.kernel,
    mesh=plsc.VectorSubcoreMesh(core_axis_name="c", subcore_axis_name="s"),
    out_type=jax.ShapeDtypeStruct((NC, NP, DP), jnp.float32),
    compiler_params=pltpu.CompilerParams(use_tc_tiling_on_sc=False),
    scratch_types=[
        pltpu.VMEM((NCHD, CHD), jnp.int32),
        pltpu.VMEM((NCHD, CHD), jnp.int32),
        pltpu.VMEM((CHD, DP), jnp.float32),
        pltpu.VMEM((CHD, DP), jnp.float32),
        pltpu.VMEM_SHARED((NP, DP), jnp.float32),
        pltpu.SemaphoreType.DMA,
        pltpu.SemaphoreType.DMA,
    ],
)(_sc_d_body)


def _tc_e_body(acc_ref, cnt_ref, r2_ref, o_ref):
    cnt = cnt_ref[0, :, 0:1] + cnt_ref[1, :, 0:1]
    z = (acc_ref[0] + acc_ref[1]) / jnp.maximum(cnt, 1.0) + r2_ref[...]
    z0 = z[:, 0:1]
    z1 = z[:, 1:2]
    m = jnp.maximum(z0, z1)
    lse = m + jnp.log(jnp.exp(z0 - m) + jnp.exp(z1 - m))
    o_ref[...] = z - lse


def _tc_e(accp, cntp, r2):
    return pl.pallas_call(
        _tc_e_body,
        grid=(GRID,),
        in_specs=[
            pl.BlockSpec((NC, BN, DP), lambda i: (0, i, 0)),
            pl.BlockSpec((NC, BN, DP), lambda i: (0, i, 0)),
            pl.BlockSpec((BN, DP), lambda i: (i, 0)),
        ],
        out_specs=pl.BlockSpec((BN, DP), lambda i: (i, 0)),
        out_shape=jax.ShapeDtypeStruct((NP, DP), jnp.float32),
    )(accp, cntp, r2)


def kernel(x, edge_index, W1l, b1, W1r, W2l, b2, W2r):
    xp = jnp.pad(x, ((0, NP - N), (0, KP - D_IN)))
    w1l = jnp.pad(W1l, ((0, KP - D_IN), (0, 0)))
    w1r = jnp.pad(W1r, ((0, KP - D_IN), (0, 0)))
    b1p = b1[None, :]
    w2l = jnp.pad(W2l, ((0, 0), (0, DP - D_OUT)))
    w2r = jnp.pad(W2r, ((0, 0), (0, DP - D_OUT)))
    b2p = jnp.pad(b2, (0, DP - D_OUT))[None, :]

    pad_ids = N + jnp.arange(EP - E, dtype=jnp.int32) % (NP - N)
    srcp = jnp.concatenate([edge_index[0], pad_ids])
    dstp = jnp.concatenate([edge_index[1], pad_ids])
    src2 = srcp.reshape(EP // CH, CH)
    dst2 = dstp.reshape(EP // CH, CH)
    src2d = srcp.reshape(EP // CHD, CHD)
    dst2d = dstp.reshape(EP // CHD, CHD)

    z128 = jnp.zeros((STRIPE, D_H), jnp.float32)

    y1, r1 = _tc_a(xp, w1l, w1r, b1p)
    cntp = _sc_cnt(dst2)
    aggp = _sc_b(y1, src2, dst2, z128)
    y2, r2 = _tc_c(aggp, cntp, r1, w2l, w2r, b2p)
    accp = _sc_d(y2, src2d, dst2d)
    o = _tc_e(accp, cntp, r2)
    return o[:N, :D_OUT]

# --- scband reference (transcript-rebuilt; emitter-appended) ---
"""Pipeline reference for scband-fraud-gnn-463856468591 (READ-ONLY COPY).

The authoritative reference and input builder live on the scoring server;
editing this copy changes nothing except your own understanding.
"""

import jax, jax.numpy as jnp
import numpy as np

N = 10000
E = 320000
D_IN = 166
D_H = 128
D_OUT = 2


def setup_inputs(seed: int = 0) -> dict:
    key = jax.random.key(seed)
    ks = jax.random.split(key, 10)
    x = jax.random.normal(ks[0], (N, D_IN), dtype=jnp.float32)
    edge_index = jax.random.randint(ks[1], (2, E), 0, N, dtype=jnp.int32)
    # SAGEConv layer 1: lin_l (applied to aggregated neighbors, has bias), lin_r (applied to root, no bias)
    s1 = 1.0 / np.sqrt(D_IN)
    W1l = jax.random.uniform(ks[2], (D_IN, D_H), dtype=jnp.float32, minval=-s1, maxval=s1)
    b1 = jax.random.uniform(ks[3], (D_H,), dtype=jnp.float32, minval=-s1, maxval=s1)
    W1r = jax.random.uniform(ks[4], (D_IN, D_H), dtype=jnp.float32, minval=-s1, maxval=s1)
    # SAGEConv layer 2
    s2 = 1.0 / np.sqrt(D_H)
    W2l = jax.random.uniform(ks[5], (D_H, D_OUT), dtype=jnp.float32, minval=-s2, maxval=s2)
    b2 = jax.random.uniform(ks[6], (D_OUT,), dtype=jnp.float32, minval=-s2, maxval=s2)
    W2r = jax.random.uniform(ks[7], (D_H, D_OUT), dtype=jnp.float32, minval=-s2, maxval=s2)
    return {"x": x, "edge_index": edge_index, "W1l": W1l, "b1": b1, "W1r": W1r, "W2l": W2l, "b2": b2, "W2r": W2r}


def _sage_conv(h, edge_index, Wl, b, Wr):
    # PyG SAGEConv with mean aggregation:
    # out = lin_l(mean_{j in N(i)} x_j) + lin_r(x_i)
    src = edge_index[0]
    dst = edge_index[1]
    msg = h[src]  # gather source node features
    agg = jax.ops.segment_sum(msg, dst, num_segments=N)
    cnt = jax.ops.segment_sum(jnp.ones((edge_index.shape[1],), dtype=h.dtype), dst, num_segments=N)
    mean = agg / jnp.clip(cnt, 1.0, None)[:, None]
    return mean @ Wl + b + h @ Wr


def reference(x, edge_index, W1l, b1, W1r, W2l, b2, W2r):
    h = _sage_conv(x, edge_index, W1l, b1, W1r)
    h = jax.nn.relu(h)
    # dropout(p=0.5, training=self.training) is identity in eval mode
    out = _sage_conv(h, edge_index, W2l, b2, W2r)
    return jax.nn.log_softmax(out, axis=1)

if __name__ == "__main__":
    import jax
    _d = setup_inputs()
    print(jax.jit(kernel)(*tuple(_d.values())))

</pallas_src>

<mosaic_0001>
#map = affine_map<(d0, d1) -> (0, 0)>
#map1 = affine_map<(d0, d1) -> (0, 0, 0)>
module attributes {stable_mosaic.version = 14 : i64} {
  func.func @_sc_d_body(%arg0: i32, %arg1: i32, %arg2: memref<10240x16xf32, #tpu.memory_space<hbm>>, %arg3: memref<640x512xi32, #tpu.memory_space<hbm>>, %arg4: memref<640x512xi32, #tpu.memory_space<hbm>>, %arg5: memref<2x10240x16xf32, #tpu.memory_space<hbm>>, %arg6: memref<20x512xi32, #tpu.memory_space<vmem>>, %arg7: memref<20x512xi32, #tpu.memory_space<vmem>>, %arg8: memref<512x16xf32, #tpu.memory_space<vmem>>, %arg9: memref<512x16xf32, #tpu.memory_space<vmem>>, %arg10: memref<10240x16xf32, #tpu.memory_space<vmem_shared>>, %arg11: memref<!tpu.dma_semaphore, #tpu.memory_space<semaphore_mem>>, %arg12: memref<!tpu.dma_semaphore, #tpu.memory_space<semaphore_mem>>) attributes {dimension_semantics = [#tpu.dimension_semantics<core_parallel>, #tpu.dimension_semantics<subcore_parallel>], iteration_bounds = array<i64: 2, 16>, scalar_prefetch = 0 : i64, scratch_operands = 7 : i64, tpu.core_type = #tpu.core_type<sc_vector_subcore>, window_params = [{transform_indices = #map}, {transform_indices = #map}, {transform_indices = #map}, {transform_indices = #map1}]} {
    %mul3A = arith.constant 2 : i32
    %mul3A_0 = arith.muli %arg1, %mul3A : i32
    %add3A = arith.addi %mul3A_0, %arg0 : i32
    %scan3A = arith.constant 0 : i32
    %scan3A_1 = arith.constant 0 : i32
    %scan3A_2 = arith.constant 512 : i32
    %scan3A_3 = arith.addi %scan3A_1, %scan3A_2 : i32
    %scan3A_4 = arith.constant 1 : i32
    scf.for %scan3A_33 = %scan3A_1 to %scan3A_3 step %scan3A_4  : i32 {
      %broadcast_in_dim3A = arith.constant 0.000000e+00 : f32
      %broadcast_in_dim3A_34 = vector.broadcast %broadcast_in_dim3A : f32 to vector<16xf32>
      %swap3A = arith.index_cast %scan3A_33 : i32 to index
      %swap3A_35 = arith.constant 0 : index
      %swap3A_36 = tpu.vector_load %arg8[%swap3A, %swap3A_35] {strides = array<i32>} : memref<512x16xf32, #tpu.memory_space<vmem>>, vector<1x16xf32>,
      %swap3A_37 = vector.shape_cast %swap3A_36 : vector<1x16xf32> to vector<16xf32>
      %swap3A_38 = vector.shape_cast %broadcast_in_dim3A_34 : vector<16xf32> to vector<1x16xf32>
      tpu.vector_store %arg8[%swap3A, %swap3A_35], %swap3A_38 {strides = array<i32>} : memref<512x16xf32, #tpu.memory_space<vmem>>, vector<1x16xf32>,
    }
    %scan3A_5 = arith.constant 512 : i32
    %mul3A_6 = arith.constant 640 : i32
    %mul3A_7 = arith.muli %arg1, %mul3A_6 : i32
    %add3A_8 = arith.constant 0 : i32
    %add3A_9 = arith.addi %mul3A_7, %add3A_8 : i32
    "tpu.region"() ({
      %run_scoped3A = tpu.sem_alloc : memref<!tpu.dma_semaphore, #tpu.memory_space<semaphore_mem>>
      %dma_start3A_33 = arith.constant 0 : i32
      %dma_start3A_34 = arith.constant 0 : i32
      %dma_start3A_35 = tpu.memref_slice %arg8[%dma_start3A_33, %dma_start3A_34] : memref<512x16xf32, #tpu.memory_space<vmem>> -> memref<512x16xf32, #tpu.memory_space<vmem>>
      %dma_start3A_36 = arith.constant 0 : i32
      %dma_start3A_37 = tpu.memref_slice %arg10[%add3A_9, %dma_start3A_36] : memref<10240x16xf32, #tpu.memory_space<vmem_shared>> -> memref<512x16xf32, #tpu.memory_space<vmem_shared>>
      %dma_start3A_38 = arith.constant 0 : i32
      %dma_start3A_39 = tpu.memref_slice %arg10[%add3A_9, %dma_start3A_38] : memref<10240x16xf32, #tpu.memory_space<vmem_shared>> -> memref<512x16xf32, #tpu.memory_space<vmem_shared>>
      %dma_start3A_40 = arith.constant 0 : i32
      %dma_start3A_41 = arith.constant 0 : i32
      %dma_start3A_42 = tpu.memref_slice %arg8[%dma_start3A_40, %dma_start3A_41] : memref<512x16xf32, #tpu.memory_space<vmem>> -> memref<512x16xf32, #tpu.memory_space<vmem>>
      tpu.enqueue_dma source(%dma_start3A_42 : memref<512x16xf32, #tpu.memory_space<vmem>>) target(%dma_start3A_39 : memref<512x16xf32, #tpu.memory_space<vmem_shared>>) target_semaphore(%run_scoped3A : memref<!tpu.dma_semaphore, #tpu.memory_space<semaphore_mem>>)
      %dma_wait3A = arith.constant 0 : i32
      %dma_wait3A_43 = arith.constant 0 : i32
      %dma_wait3A_44 = tpu.memref_slice %arg8[%dma_wait3A, %dma_wait3A_43] : memref<512x16xf32, #tpu.memory_space<vmem>> -> memref<512x16xf32, #tpu.memory_space<vmem>>
      %dma_wait3A_45 = arith.constant 0 : i32
      %dma_wait3A_46 = tpu.memref_slice %arg10[%add3A_9, %dma_wait3A_45] : memref<10240x16xf32, #tpu.memory_space<vmem_shared>> -> memref<512x16xf32, #tpu.memory_space<vmem_shared>>
      %dma_wait3A_47 = arith.constant 0 : i32
      %dma_wait3A_48 = tpu.memref_slice %arg10[%add3A_9, %dma_wait3A_47] : memref<10240x16xf32, #tpu.memory_space<vmem_shared>> -> memref<512x16xf32, #tpu.memory_space<vmem_shared>>
      %dma_wait3A_49 = arith.constant 0 : i32
      %dma_wait3A_50 = arith.constant 0 : i32
      %dma_wait3A_51 = tpu.memref_slice %arg8[%dma_wait3A_49, %dma_wait3A_50] : memref<512x16xf32, #tpu.memory_space<vmem>> -> memref<512x16xf32, #tpu.memory_space<vmem>>
      tpu.wait_dma2 semaphore(%run_scoped3A : memref<!tpu.dma_semaphore, #tpu.memory_space<semaphore_mem>>) src(%dma_wait3A_51 : memref<512x16xf32, #tpu.memory_space<vmem>>) dst(%dma_wait3A_48 : memref<512x16xf32, #tpu.memory_space<vmem_shared>>)
      tpu.yield
    }) : () -> ()
    %mul3A_10 = arith.constant 640 : i32
    %mul3A_11 = arith.muli %arg1, %mul3A_10 : i32
    %add3A_12 = arith.constant 512 : i32
    %add3A_13 = arith.addi %mul3A_11, %add3A_12 : i32
    "tpu.region"() ({
      %run_scoped3A = tpu.sem_alloc : memref<!tpu.dma_semaphore, #tpu.memory_space<semaphore_mem>>
      %dma_start3A_33 = arith.constant 0 : i32
      %dma_start3A_34 = arith.constant 0 : i32
      %dma_start3A_35 = tpu.memref_slice %arg8[%dma_start3A_33, %dma_start3A_34] : memref<512x16xf32, #tpu.memory_space<vmem>> -> memref<128x16xf32, #tpu.memory_space<vmem>>
      %dma_start3A_36 = arith.constant 0 : i32
      %dma_start3A_37 = tpu.memref_slice %arg10[%add3A_13, %dma_start3A_36] : memref<10240x16xf32, #tpu.memory_space<vmem_shared>> -> memref<128x16xf32, #tpu.memory_space<vmem_shared>>
      %dma_start3A_38 = arith.constant 0 : i32
      %dma_start3A_39 = tpu.memref_slice %arg10[%add3A_13, %dma_start3A_38] : memref<10240x16xf32, #tpu.memory_space<vmem_shared>> -> memref<128x16xf32, #tpu.memory_space<vmem_shared>>
      %dma_start3A_40 = arith.constant 0 : i32
      %dma_start3A_41 = arith.constant 0 : i32
      %dma_start3A_42 = tpu.memref_slice %arg8[%dma_start3A_40, %dma_start3A_41] : memref<512x16xf32, #tpu.memory_space<vmem>> -> memref<128x16xf32, #tpu.memory_space<vmem>>
      tpu.enqueue_dma source(%dma_start3A_42 : memref<128x16xf32, #tpu.memory_space<vmem>>) target(%dma_start3A_39 : memref<128x16xf32, #tpu.memory_space<vmem_shared>>) target_semaphore(%run_scoped3A : memref<!tpu.dma_semaphore, #tpu.memory_space<semaphore_mem>>)
      %dma_wait3A = arith.constant 0 : i32
      %dma_wait3A_43 = arith.constant 0 : i32
      %dma_wait3A_44 = tpu.memref_slice %arg8[%dma_wait3A, %dma_wait3A_43] : memref<512x16xf32, #tpu.memory_space<vmem>> -> memref<128x16xf32, #tpu.memory_space<vmem>>
      %dma_wait3A_45 = arith.constant 0 : i32
      %dma_wait3A_46 = tpu.memref_slice %arg10[%add3A_13, %dma_wait3A_45] : memref<10240x16xf32, #tpu.memory_space<vmem_shared>> -> memref<128x16xf32, #tpu.memory_space<vmem_shared>>
      %dma_wait3A_47 = arith.constant 0 : i32
      %dma_wait3A_48 = tpu.memref_slice %arg10[%add3A_13, %dma_wait3A_47] : memref<10240x16xf32, #tpu.memory_space<vmem_shared>> -> memref<128x16xf32, #tpu.memory_space<vmem_shared>>
      %dma_wait3A_49 = arith.constant 0 : i32
      %dma_wait3A_50 = arith.constant 0 : i32
      %dma_wait3A_51 = tpu.memref_slice %arg8[%dma_wait3A_49, %dma_wait3A_50] : memref<512x16xf32, #tpu.memory_space<vmem>> -> memref<128x16xf32, #tpu.memory_space<vmem>>
      tpu.wait_dma2 semaphore(%run_scoped3A : memref<!tpu.dma_semaphore, #tpu.memory_space<semaphore_mem>>) src(%dma_wait3A_51 : memref<128x16xf32, #tpu.memory_space<vmem>>) dst(%dma_wait3A_48 : memref<128x16xf32, #tpu.memory_space<vmem_shared>>)
      tpu.yield
    }) : () -> ()
    %barrier3A = arith.constant 0 : index
    tpu.barrier barrier_id(%barrier3A)
    %mul3A_14 = arith.constant 20 : i32
    %mul3A_15 = arith.muli %add3A, %mul3A_14 : i32
    "tpu.region"() ({
      %run_scoped3A = tpu.sem_alloc : memref<!tpu.dma_semaphore, #tpu.memory_space<semaphore_mem>>
      %dma_start3A_33 = arith.constant 0 : i32
      %dma_start3A_34 = tpu.memref_slice %arg3[%mul3A_15, %dma_start3A_33] : memref<640x512xi32, #tpu.memory_space<hbm>> -> memref<20x512xi32, #tpu.memory_space<hbm>>
      %dma_start3A_35 = arith.constant 0 : i32
      %dma_start3A_36 = tpu.memref_slice %arg3[%mul3A_15, %dma_start3A_35] : memref<640x512xi32, #tpu.memory_space<hbm>> -> memref<20x512xi32, #tpu.memory_space<hbm>>
      tpu.enqueue_dma source(%dma_start3A_36 : memref<20x512xi32, #tpu.memory_space<hbm>>) target(%arg6 : memref<20x512xi32, #tpu.memory_space<vmem>>) target_semaphore(%run_scoped3A : memref<!tpu.dma_semaphore, #tpu.memory_space<semaphore_mem>>)
      %dma_wait3A = arith.constant 0 : i32
      %dma_wait3A_37 = tpu.memref_slice %arg3[%mul3A_15, %dma_wait3A] : memref<640x512xi32, #tpu.memory_space<hbm>> -> memref<20x512xi32, #tpu.memory_space<hbm>>
      %dma_wait3A_38 = arith.constant 0 : i32
      %dma_wait3A_39 = tpu.memref_slice %arg3[%mul3A_15, %dma_wait3A_38] : memref<640x512xi32, #tpu.memory_space<hbm>> -> memref<20x512xi32, #tpu.memory_space<hbm>>
      tpu.wait_dma2 semaphore(%run_scoped3A : memref<!tpu.dma_semaphore, #tpu.memory_space<semaphore_mem>>) src(%dma_wait3A_39 : memref<20x512xi32, #tpu.memory_space<hbm>>) dst(%arg6 : memref<20x512xi32, #tpu.memory_space<vmem>>)
      tpu.yield
    }) : () -> ()
    "tpu.region"() ({
      %run_scoped3A = tpu.sem_alloc : memref<!tpu.dma_semaphore, #tpu.memory_space<semaphore_mem>>
      %dma_start3A_33 = arith.constant 0 : i32
      %dma_start3A_34 = tpu.memref_slice %arg4[%mul3A_15, %dma_start3A_33] : memref<640x512xi32, #tpu.memory_space<hbm>> -> memref<20x512xi32, #tpu.memory_space<hbm>>
      %dma_start3A_35 = arith.constant 0 : i32
      %dma_start3A_36 = tpu.memref_slice %arg4[%mul3A_15, %dma_start3A_35] : memref<640x512xi32, #tpu.memory_space<hbm>> -> memref<20x512xi32, #tpu.memory_space<hbm>>
      tpu.enqueue_dma source(%dma_start3A_36 : memref<20x512xi32, #tpu.memory_space<hbm>>) target(%arg7 : memref<20x512xi32, #tpu.memory_space<vmem>>) target_semaphore(%run_scoped3A : memref<!tpu.dma_semaphore, #tpu.memory_space<semaphore_mem>>)
      %dma_wait3A = arith.constant 0 : i32
      %dma_wait3A_37 = tpu.memref_slice %arg4[%mul3A_15, %dma_wait3A] : memref<640x512xi32, #tpu.memory_space<hbm>> -> memref<20x512xi32, #tpu.memory_space<hbm>>
      %dma_wait3A_38 = arith.constant 0 : i32
      %dma_wait3A_39 = tpu.memref_slice %arg4[%mul3A_15, %dma_wait3A_38] : memref<640x512xi32, #tpu.memory_space<hbm>> -> memref<20x512xi32, #tpu.memory_space<hbm>>
      tpu.wait_dma2 semaphore(%run_scoped3A : memref<!tpu.dma_semaphore, #tpu.memory_space<semaphore_mem>>) src(%dma_wait3A_39 : memref<20x512xi32, #tpu.memory_space<hbm>>) dst(%arg7 : memref<20x512xi32, #tpu.memory_space<vmem>>)
      tpu.yield
    }) : () -> ()
    %dma_start3A = arith.constant 0 : i32
    %dma_start3A_16 = arith.constant 0 : i32
    %dma_start3A_17 = tpu.memref_slice %arg6[%dma_start3A, %dma_start3A_16] : memref<20x512xi32, #tpu.memory_space<vmem>> -> memref<1x512xi32, #tpu.memory_space<vmem>>
    %dma_start3A_18 = tpu.memref_squeeze %dma_start3A_17 : memref<1x512xi32, #tpu.memory_space<vmem>> -> memref<512xi32, #tpu.memory_space<vmem>>
    %dma_start3A_19 = arith.constant 0 : i32
    %dma_start3A_20 = arith.constant 0 : i32
    %dma_start3A_21 = tpu.memref_slice %arg2[%dma_start3A_19, %dma_start3A_20] : memref<10240x16xf32, #tpu.memory_space<hbm>> -> memref<10240x16xf32, #tpu.memory_space<hbm>>
    tpu.enqueue_indirect_dma source(%dma_start3A_21 : memref<10240x16xf32, #tpu.memory_space<hbm>>) target(%arg8 : memref<512x16xf32, #tpu.memory_space<vmem>>) offsets(%dma_start3A_18 : memref<512xi32, #tpu.memory_space<vmem>>) semaphore(%arg11 : memref<!tpu.dma_semaphore, #tpu.memory_space<semaphore_mem>>)
    %scan3A_22 = arith.constant 0 : i32
    %scan3A_23 = arith.constant 0 : i32
    %scan3A_24 = arith.constant 10 : i32
    %scan3A_25 = arith.addi %scan3A_23, %scan3A_24 : i32
    %scan3A_26 = arith.constant 1 : i32
    scf.for %scan3A_33 = %scan3A_23 to %scan3A_25 step %scan3A_26  : i32 {
      %mul3A_34 = arith.constant 2 : i32
      %mul3A_35 = arith.muli %mul3A_34, %scan3A_33 : i32
      %add3A_36 = arith.constant 1 : i32
      %add3A_37 = arith.addi %mul3A_35, %add3A_36 : i32
      %dma_start3A_38 = arith.constant 0 : i32
      %dma_start3A_39 = tpu.memref_slice %arg6[%add3A_37, %dma_start3A_38] : memref<20x512xi32, #tpu.memory_space<vmem>> -> memref<1x512xi32, #tpu.memory_space<vmem>>
      %dma_start3A_40 = tpu.memref_squeeze %dma_start3A_39 : memref<1x512xi32, #tpu.memory_space<vmem>> -> memref<512xi32, #tpu.memory_space<vmem>>
      %dma_start3A_41 = arith.constant 0 : i32
      %dma_start3A_42 = arith.constant 0 : i32
      %dma_start3A_43 = tpu.memref_slice %arg2[%dma_start3A_41, %dma_start3A_42] : memref<10240x16xf32, #tpu.memory_space<hbm>> -> memref<10240x16xf32, #tpu.memory_space<hbm>>
      tpu.enqueue_indirect_dma source(%dma_start3A_43 : memref<10240x16xf32, #tpu.memory_space<hbm>>) target(%arg9 : memref<512x16xf32, #tpu.memory_space<vmem>>) offsets(%dma_start3A_40 : memref<512xi32, #tpu.memory_space<vmem>>) semaphore(%arg12 : memref<!tpu.dma_semaphore, #tpu.memory_space<semaphore_mem>>)
      %mul3A_44 = arith.constant 2 : i32
      %mul3A_45 = arith.muli %mul3A_44, %scan3A_33 : i32
      %dma_wait3A = arith.constant 0 : i32
      %dma_wait3A_46 = tpu.memref_slice %arg6[%mul3A_45, %dma_wait3A] : memref<20x512xi32, #tpu.memory_space<vmem>> -> memref<1x512xi32, #tpu.memory_space<vmem>>
      %dma_wait3A_47 = tpu.memref_squeeze %dma_wait3A_46 : memref<1x512xi32, #tpu.memory_space<vmem>> -> memref<512xi32, #tpu.memory_space<vmem>>
      %dma_wait3A_48 = arith.constant 0 : i32
      %dma_wait3A_49 = arith.constant 0 : i32
      %dma_wait3A_50 = tpu.memref_slice %arg2[%dma_wait3A_48, %dma_wait3A_49] : memref<10240x16xf32, #tpu.memory_space<hbm>> -> memref<10240x16xf32, #tpu.memory_space<hbm>>
      tpu.wait_indirect_dma semaphore(%arg11 : memref<!tpu.dma_semaphore, #tpu.memory_space<semaphore_mem>>) src(%dma_wait3A_50 : memref<10240x16xf32, #tpu.memory_space<hbm>>) dst(%arg8 : memref<512x16xf32, #tpu.memory_space<vmem>>)
      %mul3A_51 = arith.constant 2 : i32
      %mul3A_52 = arith.muli %mul3A_51, %scan3A_33 : i32
      "tpu.region"() ({
        %run_scoped3A = tpu.sem_alloc : memref<!tpu.dma_semaphore, #tpu.memory_space<semaphore_mem>>
        %dma_start3A_69 = arith.constant 0 : i32
        %dma_start3A_70 = tpu.memref_slice %arg7[%mul3A_52, %dma_start3A_69] : memref<20x512xi32, #tpu.memory_space<vmem>> -> memref<1x512xi32, #tpu.memory_space<vmem>>
        %dma_start3A_71 = tpu.memref_squeeze %dma_start3A_70 : memref<1x512xi32, #tpu.memory_space<vmem>> -> memref<512xi32, #tpu.memory_space<vmem>>
        %dma_start3A_72 = arith.constant 0 : i32
        %dma_start3A_73 = arith.constant 0 : i32
        %dma_start3A_74 = tpu.memref_slice %arg10[%dma_start3A_72, %dma_start3A_73] : memref<10240x16xf32, #tpu.memory_space<vmem_shared>> -> memref<10240x16xf32, #tpu.memory_space<vmem_shared>>
        tpu.enqueue_indirect_dma source(%arg8 : memref<512x16xf32, #tpu.memory_space<vmem>>) target(%dma_start3A_74 : memref<10240x16xf32, #tpu.memory_space<vmem_shared>>) offsets(%dma_start3A_71 : memref<512xi32, #tpu.memory_space<vmem>>) semaphore(%run_scoped3A : memref<!tpu.dma_semaphore, #tpu.memory_space<semaphore_mem>>) {add = true}
        %dma_wait3A_75 = arith.constant 0 : i32
        %dma_wait3A_76 = tpu.memref_slice %arg7[%mul3A_52, %dma_wait3A_75] : memref<20x512xi32, #tpu.memory_space<vmem>> -> memref<1x512xi32, #tpu.memory_space<vmem>>
        %dma_wait3A_77 = tpu.memref_squeeze %dma_wait3A_76 : memref<1x512xi32, #tpu.memory_space<vmem>> -> memref<512xi32, #tpu.memory_space<vmem>>
        %dma_wait3A_78 = arith.constant 0 : i32
        %dma_wait3A_79 = arith.constant 0 : i32
        %dma_wait3A_80 = tpu.memref_slice %arg10[%dma_wait3A_78, %dma_wait3A_79] : memref<10240x16xf32, #tpu.memory_space<vmem_shared>> -> memref<10240x16xf32, #tpu.memory_space<vmem_shared>>
        tpu.wait_indirect_dma semaphore(%run_scoped3A : memref<!tpu.dma_semaphore, #tpu.memory_space<semaphore_mem>>) src(%arg8 : memref<512x16xf32, #tpu.memory_space<vmem>>) dst(%dma_wait3A_80 : memref<10240x16xf32, #tpu.memory_space<vmem_shared>>)
        tpu.yield
      }) : () -> ()
      %lt3A = arith.constant 9 : i32
      %lt3A_53 = arith.cmpi slt, %scan3A_33, %lt3A : i32
      %convert_element_type3A = arith.extui %lt3A_53 : i1 to i32
      %cond3A = arith.constant 0 : i32
      %cond3A_54 = arith.cmpi ne, %convert_element_type3A, %cond3A : i32
      scf.if %cond3A_54 {
        %mul3A_69 = arith.constant 2 : i32
        %mul3A_70 = arith.muli %mul3A_69, %scan3A_33 : i32
        %add3A_71 = arith.constant 2 : i32
        %add3A_72 = arith.addi %mul3A_70, %add3A_71 : i32
        %dma_start3A_73 = arith.constant 0 : i32
        %dma_start3A_74 = tpu.memref_slice %arg6[%add3A_72, %dma_start3A_73] : memref<20x512xi32, #tpu.memory_space<vmem>> -> memref<1x512xi32, #tpu.memory_space<vmem>>
        %dma_start3A_75 = tpu.memref_squeeze %dma_start3A_74 : memref<1x512xi32, #tpu.memory_space<vmem>> -> memref<512xi32, #tpu.memory_space<vmem>>
        %dma_start3A_76 = arith.constant 0 : i32
        %dma_start3A_77 = arith.constant 0 : i32
        %dma_start3A_78 = tpu.memref_slice %arg2[%dma_start3A_76, %dma_start3A_77] : memref<10240x16xf32, #tpu.memory_space<hbm>> -> memref<10240x16xf32, #tpu.memory_space<hbm>>
        tpu.enqueue_indirect_dma source(%dma_start3A_78 : memref<10240x16xf32, #tpu.memory_space<hbm>>) target(%arg8 : memref<512x16xf32, #tpu.memory_space<vmem>>) offsets(%dma_start3A_75 : memref<512xi32, #tpu.memory_space<vmem>>) semaphore(%arg11 : memref<!tpu.dma_semaphore, #tpu.memory_space<semaphore_mem>>)
      } else {
      }
      %mul3A_55 = arith.constant 2 : i32
      %mul3A_56 = arith.muli %mul3A_55, %scan3A_33 : i32
      %add3A_57 = arith.constant 1 : i32
      %add3A_58 = arith.addi %mul3A_56, %add3A_57 : i32
      %dma_wait3A_59 = arith.constant 0 : i32
      %dma_wait3A_60 = tpu.memref_slice %arg6[%add3A_58, %dma_wait3A_59] : memref<20x512xi32, #tpu.memory_space<vmem>> -> memref<1x512xi32, #tpu.memory_space<vmem>>
      %dma_wait3A_61 = tpu.memref_squeeze %dma_wait3A_60 : memref<1x512xi32, #tpu.memory_space<vmem>> -> memref<512xi32, #tpu.memory_space<vmem>>
      %dma_wait3A_62 = arith.constant 0 : i32
      %dma_wait3A_63 = arith.constant 0 : i32
      %dma_wait3A_64 = tpu.memref_slice %arg2[%dma_wait3A_62, %dma_wait3A_63] : memref<10240x16xf32, #tpu.memory_space<hbm>> -> memref<10240x16xf32, #tpu.memory_space<hbm>>
      tpu.wait_indirect_dma semaphore(%arg12 : memref<!tpu.dma_semaphore, #tpu.memory_space<semaphore_mem>>) src(%dma_wait3A_64 : memref<10240x16xf32, #tpu.memory_space<hbm>>) dst(%arg9 : memref<512x16xf32, #tpu.memory_space<vmem>>)
      %mul3A_65 = arith.constant 2 : i32
      %mul3A_66 = arith.muli %mul3A_65, %scan3A_33 : i32
      %add3A_67 = arith.constant 1 : i32
      %add3A_68 = arith.addi %mul3A_66, %add3A_67 : i32
      "tpu.region"() ({
        %run_scoped3A = tpu.sem_alloc : memref<!tpu.dma_semaphore, #tpu.memory_space<semaphore_mem>>
        %dma_start3A_69 = arith.constant 0 : i32
        %dma_start3A_70 = tpu.memref_slice %arg7[%add3A_68, %dma_start3A_69] : memref<20x512xi32, #tpu.memory_space<vmem>> -> memref<1x512xi32, #tpu.memory_space<vmem>>
        %dma_start3A_71 = tpu.memref_squeeze %dma_start3A_70 : memref<1x512xi32, #tpu.memory_space<vmem>> -> memref<512xi32, #tpu.memory_space<vmem>>
        %dma_start3A_72 = arith.constant 0 : i32
        %dma_start3A_73 = arith.constant 0 : i32
        %dma_start3A_74 = tpu.memref_slice %arg10[%dma_start3A_72, %dma_start3A_73] : memref<10240x16xf32, #tpu.memory_space<vmem_shared>> -> memref<10240x16xf32, #tpu.memory_space<vmem_shared>>
        tpu.enqueue_indirect_dma source(%arg9 : memref<512x16xf32, #tpu.memory_space<vmem>>) target(%dma_start3A_74 : memref<10240x16xf32, #tpu.memory_space<vmem_shared>>) offsets(%dma_start3A_71 : memref<512xi32, #tpu.memory_space<vmem>>) semaphore(%run_scoped3A : memref<!tpu.dma_semaphore, #tpu.memory_space<semaphore_mem>>) {add = true}
        %dma_wait3A_75 = arith.constant 0 : i32
        %dma_wait3A_76 = tpu.memref_slice %arg7[%add3A_68, %dma_wait3A_75] : memref<20x512xi32, #tpu.memory_space<vmem>> -> memref<1x512xi32, #tpu.memory_space<vmem>>
        %dma_wait3A_77 = tpu.memref_squeeze %dma_wait3A_76 : memref<1x512xi32, #tpu.memory_space<vmem>> -> memref<512xi32, #tpu.memory_space<vmem>>
        %dma_wait3A_78 = arith.constant 0 : i32
        %dma_wait3A_79 = arith.constant 0 : i32
        %dma_wait3A_80 = tpu.memref_slice %arg10[%dma_wait3A_78, %dma_wait3A_79] : memref<10240x16xf32, #tpu.memory_space<vmem_shared>> -> memref<10240x16xf32, #tpu.memory_space<vmem_shared>>
        tpu.wait_indirect_dma semaphore(%run_scoped3A : memref<!tpu.dma_semaphore, #tpu.memory_space<semaphore_mem>>) src(%arg9 : memref<512x16xf32, #tpu.memory_space<vmem>>) dst(%dma_wait3A_80 : memref<10240x16xf32, #tpu.memory_space<vmem_shared>>)
        tpu.yield
      }) : () -> ()
    }
    %scan3A_27 = arith.constant 10 : i32
    %barrier3A_28 = arith.constant 0 : index
    tpu.barrier barrier_id(%barrier3A_28)
    %mul3A_29 = arith.constant 640 : i32
    %mul3A_30 = arith.muli %arg1, %mul3A_29 : i32
    %mul3A_31 = arith.constant 640 : i32
    %mul3A_32 = arith.muli %arg1, %mul3A_31 : i32
    "tpu.region"() ({
      %run_scoped3A = tpu.sem_alloc : memref<!tpu.dma_semaphore, #tpu.memory_space<semaphore_mem>>
      %dma_start3A_33 = arith.constant 0 : i32
      %dma_start3A_34 = tpu.memref_slice %arg5[%arg0, %mul3A_32, %dma_start3A_33] : memref<2x10240x16xf32, #tpu.memory_space<hbm>> -> memref<1x640x16xf32, #tpu.memory_space<hbm>>
      %dma_start3A_35 = tpu.memref_squeeze %dma_start3A_34 : memref<1x640x16xf32, #tpu.memory_space<hbm>> -> memref<640x16xf32, #tpu.memory_space<hbm>>
      %dma_start3A_36 = arith.constant 0 : i32
      %dma_start3A_37 = tpu.memref_slice %arg10[%mul3A_30, %dma_start3A_36] : memref<10240x16xf32, #tpu.memory_space<vmem_shared>> -> memref<640x16xf32, #tpu.memory_space<vmem_shared>>
      tpu.enqueue_dma source(%dma_start3A_37 : memref<640x16xf32, #tpu.memory_space<vmem_shared>>) target(%dma_start3A_35 : memref<640x16xf32, #tpu.memory_space<hbm>>) target_semaphore(%run_scoped3A : memref<!tpu.dma_semaphore, #tpu.memory_space<semaphore_mem>>)
      %dma_wait3A = arith.constant 0 : i32
      %dma_wait3A_38 = tpu.memref_slice %arg5[%arg0, %mul3A_32, %dma_wait3A] : memref<2x10240x16xf32, #tpu.memory_space<hbm>> -> memref<1x640x16xf32, #tpu.memory_space<hbm>>
      %dma_wait3A_39 = tpu.memref_squeeze %dma_wait3A_38 : memref<1x640x16xf32, #tpu.memory_space<hbm>> -> memref<640x16xf32, #tpu.memory_space<hbm>>
      %dma_wait3A_40 = arith.constant 0 : i32
      %dma_wait3A_41 = tpu.memref_slice %arg10[%mul3A_30, %dma_wait3A_40] : memref<10240x16xf32, #tpu.memory_space<vmem_shared>> -> memref<640x16xf32, #tpu.memory_space<vmem_shared>>
      tpu.wait_dma2 semaphore(%run_scoped3A : memref<!tpu.dma_semaphore, #tpu.memory_space<semaphore_mem>>) src(%dma_wait3A_41 : memref<640x16xf32, #tpu.memory_space<vmem_shared>>) dst(%dma_wait3A_39 : memref<640x16xf32, #tpu.memory_space<hbm>>)
      tpu.yield
    }) : () -> ()
    return
  }
}

#map = affine_map<(d0, d1) -> (0, 0)>
#map1 = affine_map<(d0, d1) -> (0, 0, 0)>
module attributes {stable_mosaic.version = 14 : i64} {
  func.func @_sc_b_body(%arg0: i32, %arg1: i32, %arg2: memref<10240x128xf32, #tpu.memory_space<hbm>>, %arg3: memref<2560x128xi32, #tpu.memory_space<hbm>>, %arg4: memref<2560x128xi32, #tpu.memory_space<hbm>>, %arg5: memref<640x128xf32, #tpu.memory_space<hbm>>, %arg6: memref<2x10240x128xf32, #tpu.memory_space<hbm>>, %arg7: memref<40x128xi32, #tpu.memory_space<vmem>>, %arg8: memref<40x128xi32, #tpu.memory_space<vmem>>, %arg9: memref<128x128xf32, #tpu.memory_space<vmem>>, %arg10: memref<128x128xf32, #tpu.memory_space<vmem>>, %arg11: memref<10240x128xf32, #tpu.memory_space<vmem_shared>>, %arg12: memref<!tpu.dma_semaphore, #tpu.memory_space<semaphore_mem>>, %arg13: memref<!tpu.dma_semaphore, #tpu.memory_space<semaphore_mem>>) attributes {dimension_semantics = [#tpu.dimension_semantics<core_parallel>, #tpu.dimension_semantics<subcore_parallel>], iteration_bounds = array<i64: 2, 16>, scalar_prefetch = 0 : i64, scratch_operands = 7 : i64, tpu.core_type = #tpu.core_type<sc_vector_subcore>, window_params = [{transform_indices = #map}, {transform_indices = #map}, {transform_indices = #map}, {transform_indices = #map}, {transform_indices = #map1}]} {
    %mul3A = arith.constant 2 : i32
    %mul3A_0 = arith.muli %arg1, %mul3A : i32
    %add3A = arith.addi %mul3A_0, %arg0 : i32
    %mul3A_1 = arith.constant 640 : i32
    %mul3A_2 = arith.muli %arg1, %mul3A_1 : i32
    "tpu.region"() ({
      %run_scoped3A = tpu.sem_alloc : memref<!tpu.dma_semaphore, #tpu.memory_space<semaphore_mem>>
      %dma_start3A_40 = arith.constant 0 : i32
      %dma_start3A_41 = tpu.memref_slice %arg11[%mul3A_2, %dma_start3A_40] : memref<10240x128xf32, #tpu.memory_space<vmem_shared>> -> memref<640x128xf32, #tpu.memory_space<vmem_shared>>
      tpu.enqueue_dma source(%arg5 : memref<640x128xf32, #tpu.memory_space<hbm>>) target(%dma_start3A_41 : memref<640x128xf32, #tpu.memory_space<vmem_shared>>) target_semaphore(%run_scoped3A : memref<!tpu.dma_semaphore, #tpu.memory_space<semaphore_mem>>)
      %dma_wait3A = arith.constant 0 : i32
      %dma_wait3A_42 = tpu.memref_slice %arg11[%mul3A_2, %dma_wait3A] : memref<10240x128xf32, #tpu.memory_space<vmem_shared>> -> memref<640x128xf32, #tpu.memory_space<vmem_shared>>
      tpu.wait_dma2 semaphore(%run_scoped3A : memref<!tpu.dma_semaphore, #tpu.memory_space<semaphore_mem>>) src(%arg5 : memref<640x128xf32, #tpu.memory_space<hbm>>) dst(%dma_wait3A_42 : memref<640x128xf32, #tpu.memory_space<vmem_shared>>)
      tpu.yield
    }) : () -> ()
    %barrier3A = arith.constant 0 : index
    tpu.barrier barrier_id(%barrier3A)
    %mul3A_3 = arith.constant 80 : i32
    %mul3A_4 = arith.muli %add3A, %mul3A_3 : i32
    %add3A_5 = arith.constant 0 : i32
    %add3A_6 = arith.addi %mul3A_4, %add3A_5 : i32
    "tpu.region"() ({
      %run_scoped3A = tpu.sem_alloc : memref<!tpu.dma_semaphore, #tpu.memory_space<semaphore_mem>>
      %dma_start3A_40 = arith.constant 0 : i32
      %dma_start3A_41 = tpu.memref_slice %arg3[%add3A_6, %dma_start3A_40] : memref<2560x128xi32, #tpu.memory_space<hbm>> -> memref<40x128xi32, #tpu.memory_space<hbm>>
      %dma_start3A_42 = arith.constant 0 : i32
      %dma_start3A_43 = tpu.memref_slice %arg3[%add3A_6, %dma_start3A_42] : memref<2560x128xi32, #tpu.memory_space<hbm>> -> memref<40x128xi32, #tpu.memory_space<hbm>>
      tpu.enqueue_dma source(%dma_start3A_43 : memref<40x128xi32, #tpu.memory_space<hbm>>) target(%arg7 : memref<40x128xi32, #tpu.memory_space<vmem>>) target_semaphore(%run_scoped3A : memref<!tpu.dma_semaphore, #tpu.memory_space<semaphore_mem>>)
      %dma_wait3A = arith.constant 0 : i32
      %dma_wait3A_44 = tpu.memref_slice %arg3[%add3A_6, %dma_wait3A] : memref<2560x128xi32, #tpu.memory_space<hbm>> -> memref<40x128xi32, #tpu.memory_space<hbm>>
      %dma_wait3A_45 = arith.constant 0 : i32
      %dma_wait3A_46 = tpu.memref_slice %arg3[%add3A_6, %dma_wait3A_45] : memref<2560x128xi32, #tpu.memory_space<hbm>> -> memref<40x128xi32, #tpu.memory_space<hbm>>
      tpu.wait_dma2 semaphore(%run_scoped3A : memref<!tpu.dma_semaphore, #tpu.memory_space<semaphore_mem>>) src(%dma_wait3A_46 : memref<40x128xi32, #tpu.memory_space<hbm>>) dst(%arg7 : memref<40x128xi32, #tpu.memory_space<vmem>>)
      tpu.yield
    }) : () -> ()
    "tpu.region"() ({
      %run_scoped3A = tpu.sem_alloc : memref<!tpu.dma_semaphore, #tpu.memory_space<semaphore_mem>>
      %dma_start3A_40 = arith.constant 0 : i32
      %dma_start3A_41 = tpu.memref_slice %arg4[%add3A_6, %dma_start3A_40] : memref<2560x128xi32, #tpu.memory_space<hbm>> -> memref<40x128xi32, #tpu.memory_space<hbm>>
      %dma_start3A_42 = arith.constant 0 : i32
      %dma_start3A_43 = tpu.memref_slice %arg4[%add3A_6, %dma_start3A_42] : memref<2560x128xi32, #tpu.memory_space<hbm>> -> memref<40x128xi32, #tpu.memory_space<hbm>>
      tpu.enqueue_dma source(%dma_start3A_43 : memref<40x128xi32, #tpu.memory_space<hbm>>) target(%arg8 : memref<40x128xi32, #tpu.memory_space<vmem>>) target_semaphore(%run_scoped3A : memref<!tpu.dma_semaphore, #tpu.memory_space<semaphore_mem>>)
      %dma_wait3A = arith.constant 0 : i32
      %dma_wait3A_44 = tpu.memref_slice %arg4[%add3A_6, %dma_wait3A] : memref<2560x128xi32, #tpu.memory_space<hbm>> -> memref<40x128xi32, #tpu.memory_space<hbm>>
      %dma_wait3A_45 = arith.constant 0 : i32
      %dma_wait3A_46 = tpu.memref_slice %arg4[%add3A_6, %dma_wait3A_45] : memref<2560x128xi32, #tpu.memory_space<hbm>> -> memref<40x128xi32, #tpu.memory_space<hbm>>
      tpu.wait_dma2 semaphore(%run_scoped3A : memref<!tpu.dma_semaphore, #tpu.memory_space<semaphore_mem>>) src(%dma_wait3A_46 : memref<40x128xi32, #tpu.memory_space<hbm>>) dst(%arg8 : memref<40x128xi32, #tpu.memory_space<vmem>>)
      tpu.yield
    }) : () -> ()
    %dma_start3A = arith.constant 0 : i32
    %dma_start3A_7 = arith.constant 0 : i32
    %dma_start3A_8 = tpu.memref_slice %arg7[%dma_start3A, %dma_start3A_7] : memref<40x128xi32, #tpu.memory_space<vmem>> -> memref<1x128xi32, #tpu.memory_space<vmem>>
    %dma_start3A_9 = tpu.memref_squeeze %dma_start3A_8 : memref<1x128xi32, #tpu.memory_space<vmem>> -> memref<128xi32, #tpu.memory_space<vmem>>
    %dma_start3A_10 = arith.constant 0 : i32
    %dma_start3A_11 = arith.constant 0 : i32
    %dma_start3A_12 = tpu.memref_slice %arg2[%dma_start3A_10, %dma_start3A_11] : memref<10240x128xf32, #tpu.memory_space<hbm>> -> memref<10240x128xf32, #tpu.memory_space<hbm>>
    tpu.enqueue_indirect_dma source(%dma_start3A_12 : memref<10240x128xf32, #tpu.memory_space<hbm>>) target(%arg9 : memref<128x128xf32, #tpu.memory_space<vmem>>) offsets(%dma_start3A_9 : memref<128xi32, #tpu.memory_space<vmem>>) semaphore(%arg12 : memref<!tpu.dma_semaphore, #tpu.memory_space<semaphore_mem>>)
    %scan3A = arith.constant 0 : i32
    %scan3A_13 = arith.constant 0 : i32
    %scan3A_14 = arith.constant 20 : i32
    %scan3A_15 = arith.addi %scan3A_13, %scan3A_14 : i32
    %scan3A_16 = arith.constant 1 : i32
    scf.for %scan3A_40 = %scan3A_13 to %scan3A_15 step %scan3A_16  : i32 {
      %mul3A_41 = arith.constant 2 : i32
      %mul3A_42 = arith.muli %mul3A_41, %scan3A_40 : i32
      %add3A_43 = arith.constant 1 : i32
      %add3A_44 = arith.addi %mul3A_42, %add3A_43 : i32
      %dma_start3A_45 = arith.constant 0 : i32
      %dma_start3A_46 = tpu.memref_slice %arg7[%add3A_44, %dma_start3A_45] : memref<40x128xi32, #tpu.memory_space<vmem>> -> memref<1x128xi32, #tpu.memory_space<vmem>>
      %dma_start3A_47 = tpu.memref_squeeze %dma_start3A_46 : memref<1x128xi32, #tpu.memory_space<vmem>> -> memref<128xi32, #tpu.memory_space<vmem>>
      %dma_start3A_48 = arith.constant 0 : i32
      %dma_start3A_49 = arith.constant 0 : i32
      %dma_start3A_50 = tpu.memref_slice %arg2[%dma_start3A_48, %dma_start3A_49] : memref<10240x128xf32, #tpu.memory_space<hbm>> -> memref<10240x128xf32, #tpu.memory_space<hbm>>
      tpu.enqueue_indirect_dma source(%dma_start3A_50 : memref<10240x128xf32, #tpu.memory_space<hbm>>) target(%arg10 : memref<128x128xf32, #tpu.memory_space<vmem>>) offsets(%dma_start3A_47 : memref<128xi32, #tpu.memory_space<vmem>>) semaphore(%arg13 : memref<!tpu.dma_semaphore, #tpu.memory_space<semaphore_mem>>)
      %mul3A_51 = arith.constant 2 : i32
      %mul3A_52 = arith.muli %mul3A_51, %scan3A_40 : i32
      %dma_wait3A = arith.constant 0 : i32
      %dma_wait3A_53 = tpu.memref_slice %arg7[%mul3A_52, %dma_wait3A] : memref<40x128xi32, #tpu.memory_space<vmem>> -> memref<1x128xi32, #tpu.memory_space<vmem>>
      %dma_wait3A_54 = tpu.memref_squeeze %dma_wait3A_53 : memref<1x128xi32, #tpu.memory_space<vmem>> -> memref<128xi32, #tpu.memory_space<vmem>>
      %dma_wait3A_55 = arith.constant 0 : i32
      %dma_wait3A_56 = arith.constant 0 : i32
      %dma_wait3A_57 = tpu.memref_slice %arg2[%dma_wait3A_55, %dma_wait3A_56] : memref<10240x128xf32, #tpu.memory_space<hbm>> -> memref<10240x128xf32, #tpu.memory_space<hbm>>
      tpu.wait_indirect_dma semaphore(%arg12 : memref<!tpu.dma_semaphore, #tpu.memory_space<semaphore_mem>>) src(%dma_wait3A_57 : memref<10240x128xf32, #tpu.memory_space<hbm>>) dst(%arg9 : memref<128x128xf32, #tpu.memory_space<vmem>>)
      %mul3A_58 = arith.constant 2 : i32
      %mul3A_59 = arith.muli %mul3A_58, %scan3A_40 : i32
      "tpu.region"() ({
        %run_scoped3A = tpu.sem_alloc : memref<!tpu.dma_semaphore, #tpu.memory_space<semaphore_mem>>
        %dma_start3A_76 = arith.constant 0 : i32
        %dma_start3A_77 = tpu.memref_slice %arg8[%mul3A_59, %dma_start3A_76] : memref<40x128xi32, #tpu.memory_space<vmem>> -> memref<1x128xi32, #tpu.memory_space<vmem>>
        %dma_start3A_78 = tpu.memref_squeeze %dma_start3A_77 : memref<1x128xi32, #tpu.memory_space<vmem>> -> memref<128xi32, #tpu.memory_space<vmem>>
        %dma_start3A_79 = arith.constant 0 : i32
        %dma_start3A_80 = arith.constant 0 : i32
        %dma_start3A_81 = tpu.memref_slice %arg11[%dma_start3A_79, %dma_start3A_80] : memref<10240x128xf32, #tpu.memory_space<vmem_shared>> -> memref<10240x128xf32, #tpu.memory_space<vmem_shared>>
        tpu.enqueue_indirect_dma source(%arg9 : memref<128x128xf32, #tpu.memory_space<vmem>>) target(%dma_start3A_81 : memref<10240x128xf32, #tpu.memory_space<vmem_shared>>) offsets(%dma_start3A_78 : memref<128xi32, #tpu.memory_space<vmem>>) semaphore(%run_scoped3A : memref<!tpu.dma_semaphore, #tpu.memory_space<semaphore_mem>>) {add = true}
        %dma_wait3A_82 = arith.constant 0 : i32
        %dma_wait3A_83 = tpu.memref_slice %arg8[%mul3A_59, %dma_wait3A_82] : memref<40x128xi32, #tpu.memory_space<vmem>> -> memref<1x128xi32, #tpu.memory_space<vmem>>
        %dma_wait3A_84 = tpu.memref_squeeze %dma_wait3A_83 : memref<1x128xi32, #tpu.memory_space<vmem>> -> memref<128xi32, #tpu.memory_space<vmem>>
        %dma_wait3A_85 = arith.constant 0 : i32
        %dma_wait3A_86 = arith.constant 0 : i32
        %dma_wait3A_87 = tpu.memref_slice %arg11[%dma_wait3A_85, %dma_wait3A_86] : memref<10240x128xf32, #tpu.memory_space<vmem_shared>> -> memref<10240x128xf32, #tpu.memory_space<vmem_shared>>
        tpu.wait_indirect_dma semaphore(%run_scoped3A : memref<!tpu.dma_semaphore, #tpu.memory_space<semaphore_mem>>) src(%arg9 : memref<128x128xf32, #tpu.memory_space<vmem>>) dst(%dma_wait3A_87 : memref<10240x128xf32, #tpu.memory_space<vmem_shared>>)
        tpu.yield
      }) : () -> ()
      %lt3A = arith.constant 19 : i32
      %lt3A_60 = arith.cmpi slt, %scan3A_40, %lt3A : i32
      %convert_element_type3A = arith.extui %lt3A_60 : i1 to i32
      %cond3A = arith.constant 0 : i32
      %cond3A_61 = arith.cmpi ne, %convert_element_type3A, %cond3A : i32
      scf.if %cond3A_61 {
        %mul3A_76 = arith.constant 2 : i32
        %mul3A_77 = arith.muli %mul3A_76, %scan3A_40 : i32
        %add3A_78 = arith.constant 2 : i32
        %add3A_79 = arith.addi %mul3A_77, %add3A_78 : i32
        %dma_start3A_80 = arith.constant 0 : i32
        %dma_start3A_81 = tpu.memref_slice %arg7[%add3A_79, %dma_start3A_80] : memref<40x128xi32, #tpu.memory_space<vmem>> -> memref<1x128xi32, #tpu.memory_space<vmem>>
        %dma_start3A_82 = tpu.memref_squeeze %dma_start3A_81 : memref<1x128xi32, #tpu.memory_space<vmem>> -> memref<128xi32, #tpu.memory_space<vmem>>
        %dma_start3A_83 = arith.constant 0 : i32
        %dma_start3A_84 = arith.constant 0 : i32
        %dma_start3A_85 = tpu.memref_slice %arg2[%dma_start3A_83, %dma_start3A_84] : memref<10240x128xf32, #tpu.memory_space<hbm>> -> memref<10240x128xf32, #tpu.memory_space<hbm>>
        tpu.enqueue_indirect_dma source(%dma_start3A_85 : memref<10240x128xf32, #tpu.memory_space<hbm>>) target(%arg9 : memref<128x128xf32, #tpu.memory_space<vmem>>) offsets(%dma_start3A_82 : memref<128xi32, #tpu.memory_space<vmem>>) semaphore(%arg12 : memref<!tpu.dma_semaphore, #tpu.memory_space<semaphore_mem>>)
      } else {
      }
      %mul3A_62 = arith.constant 2 : i32
      %mul3A_63 = arith.muli %mul3A_62, %scan3A_40 : i32
      %add3A_64 = arith.constant 1 : i32
      %add3A_65 = arith.addi %mul3A_63, %add3A_64 : i32
      %dma_wait3A_66 = arith.constant 0 : i32
      %dma_wait3A_67 = tpu.memref_slice %arg7[%add3A_65, %dma_wait3A_66] : memref<40x128xi32, #tpu.memory_space<vmem>> -> memref<1x128xi32, #tpu.memory_space<vmem>>
      %dma_wait3A_68 = tpu.memref_squeeze %dma_wait3A_67 : memref<1x128xi32, #tpu.memory_space<vmem>> -> memref<128xi32, #tpu.memory_space<vmem>>
      %dma_wait3A_69 = arith.constant 0 : i32
      %dma_wait3A_70 = arith.constant 0 : i32
      %dma_wait3A_71 = tpu.memref_slice %arg2[%dma_wait3A_69, %dma_wait3A_70] : memref<10240x128xf32, #tpu.memory_space<hbm>> -> memref<10240x128xf32, #tpu.memory_space<hbm>>
      tpu.wait_indirect_dma semaphore(%arg13 : memref<!tpu.dma_semaphore, #tpu.memory_space<semaphore_mem>>) src(%dma_wait3A_71 : memref<10240x128xf32, #tpu.memory_space<hbm>>) dst(%arg10 : memref<128x128xf32, #tpu.memory_space<vmem>>)
      %mul3A_72 = arith.constant 2 : i32
      %mul3A_73 = arith.muli %mul3A_72, %scan3A_40 : i32
      %add3A_74 = arith.constant 1 : i32
      %add3A_75 = arith.addi %mul3A_73, %add3A_74 : i32
      "tpu.region"() ({
        %run_scoped3A = tpu.sem_alloc : memref<!tpu.dma_semaphore, #tpu.memory_space<semaphore_mem>>
        %dma_start3A_76 = arith.constant 0 : i32
        %dma_start3A_77 = tpu.memref_slice %arg8[%add3A_75, %dma_start3A_76] : memref<40x128xi32, #tpu.memory_space<vmem>> -> memref<1x128xi32, #tpu.memory_space<vmem>>
        %dma_start3A_78 = tpu.memref_squeeze %dma_start3A_77 : memref<1x128xi32, #tpu.memory_space<vmem>> -> memref<128xi32, #tpu.memory_space<vmem>>
        %dma_start3A_79 = arith.constant 0 : i32
        %dma_start3A_80 = arith.constant 0 : i32
        %dma_start3A_81 = tpu.memref_slice %arg11[%dma_start3A_79, %dma_start3A_80] : memref<10240x128xf32, #tpu.memory_space<vmem_shared>> -> memref<10240x128xf32, #tpu.memory_space<vmem_shared>>
        tpu.enqueue_indirect_dma source(%arg10 : memref<128x128xf32, #tpu.memory_space<vmem>>) target(%dma_start3A_81 : memref<10240x128xf32, #tpu.memory_space<vmem_shared>>) offsets(%dma_start3A_78 : memref<128xi32, #tpu.memory_space<vmem>>) semaphore(%run_scoped3A : memref<!tpu.dma_semaphore, #tpu.memory_space<semaphore_mem>>) {add = true}
        %dma_wait3A_82 = arith.constant 0 : i32
        %dma_wait3A_83 = tpu.memref_slice %arg8[%add3A_75, %dma_wait3A_82] : memref<40x128xi32, #tpu.memory_space<vmem>> -> memref<1x128xi32, #tpu.memory_space<vmem>>
        %dma_wait3A_84 = tpu.memref_squeeze %dma_wait3A_83 : memref<1x128xi32, #tpu.memory_space<vmem>> -> memref<128xi32, #tpu.memory_space<vmem>>
        %dma_wait3A_85 = arith.constant 0 : i32
        %dma_wait3A_86 = arith.constant 0 : i32
        %dma_wait3A_87 = tpu.memref_slice %arg11[%dma_wait3A_85, %dma_wait3A_86] : memref<10240x128xf32, #tpu.memory_space<vmem_shared>> -> memref<10240x128xf32, #tpu.memory_space<vmem_shared>>
        tpu.wait_indirect_dma semaphore(%run_scoped3A : memref<!tpu.dma_semaphore, #tpu.memory_space<semaphore_mem>>) src(%arg10 : memref<128x128xf32, #tpu.memory_space<vmem>>) dst(%dma_wait3A_87 : memref<10240x128xf32, #tpu.memory_space<vmem_shared>>)
        tpu.yield
      }) : () -> ()
    }
    %scan3A_17 = arith.constant 20 : i32
    %mul3A_18 = arith.constant 80 : i32
    %mul3A_19 = arith.muli %add3A, %mul3A_18 : i32
    %add3A_20 = arith.constant 40 : i32
    %add3A_21 = arith.addi %mul3A_19, %add3A_20 : i32
    "tpu.region"() ({
      %run_scoped3A = tpu.sem_alloc : memref<!tpu.dma_semaphore, #tpu.memory_space<semaphore_mem>>
      %dma_start3A_40 = arith.constant 0 : i32
      %dma_start3A_41 = tpu.memref_slice %arg3[%add3A_21, %dma_start3A_40] : memref<2560x128xi32, #tpu.memory_space<hbm>> -> memref<40x128xi32, #tpu.memory_space<hbm>>
      %dma_start3A_42 = arith.constant 0 : i32
      %dma_start3A_43 = tpu.memref_slice %arg3[%add3A_21, %dma_start3A_42] : memref<2560x128xi32, #tpu.memory_space<hbm>> -> memref<40x128xi32, #tpu.memory_space<hbm>>
      tpu.enqueue_dma source(%dma_start3A_43 : memref<40x128xi32, #tpu.memory_space<hbm>>) target(%arg7 : memref<40x128xi32, #tpu.memory_space<vmem>>) target_semaphore(%run_scoped3A : memref<!tpu.dma_semaphore, #tpu.memory_space<semaphore_mem>>)
      %dma_wait3A = arith.constant 0 : i32
      %dma_wait3A_44 = tpu.memref_slice %arg3[%add3A_21, %dma_wait3A] : memref<2560x128xi32, #tpu.memory_space<hbm>> -> memref<40x128xi32, #tpu.memory_space<hbm>>
      %dma_wait3A_45 = arith.constant 0 : i32
      %dma_wait3A_46 = tpu.memref_slice %arg3[%add3A_21, %dma_wait3A_45] : memref<2560x128xi32, #tpu.memory_space<hbm>> -> memref<40x128xi32, #tpu.memory_space<hbm>>
      tpu.wait_dma2 semaphore(%run_scoped3A : memref<!tpu.dma_semaphore, #tpu.memory_space<semaphore_mem>>) src(%dma_wait3A_46 : memref<40x128xi32, #tpu.memory_space<hbm>>) dst(%arg7 : memref<40x128xi32, #tpu.memory_space<vmem>>)
      tpu.yield
    }) : () -> ()
    "tpu.region"() ({
      %run_scoped3A = tpu.sem_alloc : memref<!tpu.dma_semaphore, #tpu.memory_space<semaphore_mem>>
      %dma_start3A_40 = arith.constant 0 : i32
      %dma_start3A_41 = tpu.memref_slice %arg4[%add3A_21, %dma_start3A_40] : memref<2560x128xi32, #tpu.memory_space<hbm>> -> memref<40x128xi32, #tpu.memory_space<hbm>>
      %dma_start3A_42 = arith.constant 0 : i32
      %dma_start3A_43 = tpu.memref_slice %arg4[%add3A_21, %dma_start3A_42] : memref<2560x128xi32, #tpu.memory_space<hbm>> -> memref<40x128xi32, #tpu.memory_space<hbm>>
      tpu.enqueue_dma source(%dma_start3A_43 : memref<40x128xi32, #tpu.memory_space<hbm>>) target(%arg8 : memref<40x128xi32, #tpu.memory_space<vmem>>) target_semaphore(%run_scoped3A : memref<!tpu.dma_semaphore, #tpu.memory_space<semaphore_mem>>)
      %dma_wait3A = arith.constant 0 : i32
      %dma_wait3A_44 = tpu.memref_slice %arg4[%add3A_21, %dma_wait3A] : memref<2560x128xi32, #tpu.memory_space<hbm>> -> memref<40x128xi32, #tpu.memory_space<hbm>>
      %dma_wait3A_45 = arith.constant 0 : i32
      %dma_wait3A_46 = tpu.memref_slice %arg4[%add3A_21, %dma_wait3A_45] : memref<2560x128xi32, #tpu.memory_space<hbm>> -> memref<40x128xi32, #tpu.memory_space<hbm>>
      tpu.wait_dma2 semaphore(%run_scoped3A : memref<!tpu.dma_semaphore, #tpu.memory_space<semaphore_mem>>) src(%dma_wait3A_46 : memref<40x128xi32, #tpu.memory_space<hbm>>) dst(%arg8 : memref<40x128xi32, #tpu.memory_space<vmem>>)
      tpu.yield
    }) : () -> ()
    %dma_start3A_22 = arith.constant 0 : i32
    %dma_start3A_23 = arith.constant 0 : i32
    %dma_start3A_24 = tpu.memref_slice %arg7[%dma_start3A_22, %dma_start3A_23] : memref<40x128xi32, #tpu.memory_space<vmem>> -> memref<1x128xi32, #tpu.memory_space<vmem>>
    %dma_start3A_25 = tpu.memref_squeeze %dma_start3A_24 : memref<1x128xi32, #tpu.memory_space<vmem>> -> memref<128xi32, #tpu.memory_space<vmem>>
    %dma_start3A_26 = arith.constant 0 : i32
    %dma_start3A_27 = arith.constant 0 : i32
    %dma_start3A_28 = tpu.memref_slice %arg2[%dma_start3A_26, %dma_start3A_27] : memref<10240x128xf32, #tpu.memory_space<hbm>> -> memref<10240x128xf32, #tpu.memory_space<hbm>>
    tpu.enqueue_indirect_dma source(%dma_start3A_28 : memref<10240x128xf32, #tpu.memory_space<hbm>>) target(%arg9 : memref<128x128xf32, #tpu.memory_space<vmem>>) offsets(%dma_start3A_25 : memref<128xi32, #tpu.memory_space<vmem>>) semaphore(%arg12 : memref<!tpu.dma_semaphore, #tpu.memory_space<semaphore_mem>>)
    %scan3A_29 = arith.constant 0 : i32
    %scan3A_30 = arith.constant 0 : i32
    %scan3A_31 = arith.constant 20 : i32
    %scan3A_32 = arith.addi %scan3A_30, %scan3A_31 : i32
    %scan3A_33 = arith.constant 1 : i32
    scf.for %scan3A_40 = %scan3A_30 to %scan3A_32 step %scan3A_33  : i32 {
      %mul3A_41 = arith.constant 2 : i32
      %mul3A_42 = arith.muli %mul3A_41, %scan3A_40 : i32
      %add3A_43 = arith.constant 1 : i32
      %add3A_44 = arith.addi %mul3A_42, %add3A_43 : i32
      %dma_start3A_45 = arith.constant 0 : i32
      %dma_start3A_46 = tpu.memref_slice %arg7[%add3A_44, %dma_start3A_45] : memref<40x128xi32, #tpu.memory_space<vmem>> -> memref<1x128xi32, #tpu.memory_space<vmem>>
      %dma_start3A_47 = tpu.memref_squeeze %dma_start3A_46 : memref<1x128xi32, #tpu.memory_space<vmem>> -> memref<128xi32, #tpu.memory_space<vmem>>
      %dma_start3A_48 = arith.constant 0 : i32
      %dma_start3A_49 = arith.constant 0 : i32
      %dma_start3A_50 = tpu.memref_slice %arg2[%dma_start3A_48, %dma_start3A_49] : memref<10240x128xf32, #tpu.memory_space<hbm>> -> memref<10240x128xf32, #tpu.memory_space<hbm>>
      tpu.enqueue_indirect_dma source(%dma_start3A_50 : memref<10240x128xf32, #tpu.memory_space<hbm>>) target(%arg10 : memref<128x128xf32, #tpu.memory_space<vmem>>) offsets(%dma_start3A_47 : memref<128xi32, #tpu.memory_space<vmem>>) semaphore(%arg13 : memref<!tpu.dma_semaphore, #tpu.memory_space<semaphore_mem>>)
      %mul3A_51 = arith.constant 2 : i32
      %mul3A_52 = arith.muli %mul3A_51, %scan3A_40 : i32
      %dma_wait3A = arith.constant 0 : i32
      %dma_wait3A_53 = tpu.memref_slice %arg7[%mul3A_52, %dma_wait3A] : memref<40x128xi32, #tpu.memory_space<vmem>> -> memref<1x128xi32, #tpu.memory_space<vmem>>
      %dma_wait3A_54 = tpu.memref_squeeze %dma_wait3A_53 : memref<1x128xi32, #tpu.memory_space<vmem>> -> memref<128xi32, #tpu.memory_space<vmem>>
      %dma_wait3A_55 = arith.constant 0 : i32
      %dma_wait3A_56 = arith.constant 0 : i32
      %dma_wait3A_57 = tpu.memref_slice %arg2[%dma_wait3A_55, %dma_wait3A_56] : memref<10240x128xf32, #tpu.memory_space<hbm>> -> memref<10240x128xf32, #tpu.memory_space<hbm>>
      tpu.wait_indirect_dma semaphore(%arg12 : memref<!tpu.dma_semaphore, #tpu.memory_space<semaphore_mem>>) src(%dma_wait3A_57 : memref<10240x128xf32, #tpu.memory_space<hbm>>) dst(%arg9 : memref<128x128xf32, #tpu.memory_space<vmem>>)
      %mul3A_58 = arith.constant 2 : i32
      %mul3A_59 = arith.muli %mul3A_58, %scan3A_40 : i32
      "tpu.region"() ({
        %run_scoped3A = tpu.sem_alloc : memref<!tpu.dma_semaphore, #tpu.memory_space<semaphore_mem>>
        %dma_start3A_76 = arith.constant 0 : i32
        %dma_start3A_77 = tpu.memref_slice %arg8[%mul3A_59, %dma_start3A_76] : memref<40x128xi32, #tpu.memory_space<vmem>> -> memref<1x128xi32, #tpu.memory_space<vmem>>
        %dma_start3A_78 = tpu.memref_squeeze %dma_start3A_77 : memref<1x128xi32, #tpu.memory_space<vmem>> -> memref<128xi32, #tpu.memory_space<vmem>>
        %dma_start3A_79 = arith.constant 0 : i32
        %dma_start3A_80 = arith.constant 0 : i32
        %dma_start3A_81 = tpu.memref_slice %arg11[%dma_start3A_79, %dma_start3A_80] : memref<10240x128xf32, #tpu.memory_space<vmem_shared>> -> memref<10240x128xf32, #tpu.memory_space<vmem_shared>>
        tpu.enqueue_indirect_dma source(%arg9 : memref<128x128xf32, #tpu.memory_space<vmem>>) target(%dma_start3A_81 : memref<10240x128xf32, #tpu.memory_space<vmem_shared>>) offsets(%dma_start3A_78 : memref<128xi32, #tpu.memory_space<vmem>>) semaphore(%run_scoped3A : memref<!tpu.dma_semaphore, #tpu.memory_space<semaphore_mem>>) {add = true}
        %dma_wait3A_82 = arith.constant 0 : i32
        %dma_wait3A_83 = tpu.memref_slice %arg8[%mul3A_59, %dma_wait3A_82] : memref<40x128xi32, #tpu.memory_space<vmem>> -> memref<1x128xi32, #tpu.memory_space<vmem>>
        %dma_wait3A_84 = tpu.memref_squeeze %dma_wait3A_83 : memref<1x128xi32, #tpu.memory_space<vmem>> -> memref<128xi32, #tpu.memory_space<vmem>>
        %dma_wait3A_85 = arith.constant 0 : i32
        %dma_wait3A_86 = arith.constant 0 : i32
        %dma_wait3A_87 = tpu.memref_slice %arg11[%dma_wait3A_85, %dma_wait3A_86] : memref<10240x128xf32, #tpu.memory_space<vmem_shared>> -> memref<10240x128xf32, #tpu.memory_space<vmem_shared>>
        tpu.wait_indirect_dma semaphore(%run_scoped3A : memref<!tpu.dma_semaphore, #tpu.memory_space<semaphore_mem>>) src(%arg9 : memref<128x128xf32, #tpu.memory_space<vmem>>) dst(%dma_wait3A_87 : memref<10240x128xf32, #tpu.memory_space<vmem_shared>>)
        tpu.yield
      }) : () -> ()
      %lt3A = arith.constant 19 : i32
      %lt3A_60 = arith.cmpi slt, %scan3A_40, %lt3A : i32
      %convert_element_type3A = arith.extui %lt3A_60 : i1 to i32
      %cond3A = arith.constant 0 : i32
      %cond3A_61 = arith.cmpi ne, %convert_element_type3A, %cond3A : i32
      scf.if %cond3A_61 {
        %mul3A_76 = arith.constant 2 : i32
        %mul3A_77 = arith.muli %mul3A_76, %scan3A_40 : i32
        %add3A_78 = arith.constant 2 : i32
        %add3A_79 = arith.addi %mul3A_77, %add3A_78 : i32
        %dma_start3A_80 = arith.constant 0 : i32
        %dma_start3A_81 = tpu.memref_slice %arg7[%add3A_79, %dma_start3A_80] : memref<40x128xi32, #tpu.memory_space<vmem>> -> memref<1x128xi32, #tpu.memory_space<vmem>>
        %dma_start3A_82 = tpu.memref_squeeze %dma_start3A_81 : memref<1x128xi32, #tpu.memory_space<vmem>> -> memref<128xi32, #tpu.memory_space<vmem>>
        %dma_start3A_83 = arith.constant 0 : i32
        %dma_start3A_84 = arith.constant 0 : i32
        %dma_start3A_85 = tpu.memref_slice %arg2[%dma_start3A_83, %dma_start3A_84] : memref<10240x128xf32, #tpu.memory_space<hbm>> -> memref<10240x128xf32, #tpu.memory_space<hbm>>
        tpu.enqueue_indirect_dma source(%dma_start3A_85 : memref<10240x128xf32, #tpu.memory_space<hbm>>) target(%arg9 : memref<128x128xf32, #tpu.memory_space<vmem>>) offsets(%dma_start3A_82 : memref<128xi32, #tpu.memory_space<vmem>>) semaphore(%arg12 : memref<!tpu.dma_semaphore, #tpu.memory_space<semaphore_mem>>)
      } else {
      }
      %mul3A_62 = arith.constant 2 : i32
      %mul3A_63 = arith.muli %mul3A_62, %scan3A_40 : i32
      %add3A_64 = arith.constant 1 : i32
      %add3A_65 = arith.addi %mul3A_63, %add3A_64 : i32
      %dma_wait3A_66 = arith.constant 0 : i32
      %dma_wait3A_67 = tpu.memref_slice %arg7[%add3A_65, %dma_wait3A_66] : memref<40x128xi32, #tpu.memory_space<vmem>> -> memref<1x128xi32, #tpu.memory_space<vmem>>
      %dma_wait3A_68 = tpu.memref_squeeze %dma_wait3A_67 : memref<1x128xi32, #tpu.memory_space<vmem>> -> memref<128xi32, #tpu.memory_space<vmem>>
      %dma_wait3A_69 = arith.constant 0 : i32
      %dma_wait3A_70 = arith.constant 0 : i32
      %dma_wait3A_71 = tpu.memref_slice %arg2[%dma_wait3A_69, %dma_wait3A_70] : memref<10240x128xf32, #tpu.memory_space<hbm>> -> memref<10240x128xf32, #tpu.memory_space<hbm>>
      tpu.wait_indirect_dma semaphore(%arg13 : memref<!tpu.dma_semaphore, #tpu.memory_space<semaphore_mem>>) src(%dma_wait3A_71 : memref<10240x128xf32, #tpu.memory_space<hbm>>) dst(%arg10 : memref<128x128xf32, #tpu.memory_space<vmem>>)
      %mul3A_72 = arith.constant 2 : i32
      %mul3A_73 = arith.muli %mul3A_72, %scan3A_40 : i32
      %add3A_74 = arith.constant 1 : i32
      %add3A_75 = arith.addi %mul3A_73, %add3A_74 : i32
      "tpu.region"() ({
        %run_scoped3A = tpu.sem_alloc : memref<!tpu.dma_semaphore, #tpu.memory_space<semaphore_mem>>
        %dma_start3A_76 = arith.constant 0 : i32
        %dma_start3A_77 = tpu.memref_slice %arg8[%add3A_75, %dma_start3A_76] : memref<40x128xi32, #tpu.memory_space<vmem>> -> memref<1x128xi32, #tpu.memory_space<vmem>>
        %dma_start3A_78 = tpu.memref_squeeze %dma_start3A_77 : memref<1x128xi32, #tpu.memory_space<vmem>> -> memref<128xi32, #tpu.memory_space<vmem>>
        %dma_start3A_79 = arith.constant 0 : i32
        %dma_start3A_80 = arith.constant 0 : i32
        %dma_start3A_81 = tpu.memref_slice %arg11[%dma_start3A_79, %dma_start3A_80] : memref<10240x128xf32, #tpu.memory_space<vmem_shared>> -> memref<10240x128xf32, #tpu.memory_space<vmem_shared>>
        tpu.enqueue_indirect_dma source(%arg10 : memref<128x128xf32, #tpu.memory_space<vmem>>) target(%dma_start3A_81 : memref<10240x128xf32, #tpu.memory_space<vmem_shared>>) offsets(%dma_start3A_78 : memref<128xi32, #tpu.memory_space<vmem>>) semaphore(%run_scoped3A : memref<!tpu.dma_semaphore, #tpu.memory_space<semaphore_mem>>) {add = true}
        %dma_wait3A_82 = arith.constant 0 : i32
        %dma_wait3A_83 = tpu.memref_slice %arg8[%add3A_75, %dma_wait3A_82] : memref<40x128xi32, #tpu.memory_space<vmem>> -> memref<1x128xi32, #tpu.memory_space<vmem>>
        %dma_wait3A_84 = tpu.memref_squeeze %dma_wait3A_83 : memref<1x128xi32, #tpu.memory_space<vmem>> -> memref<128xi32, #tpu.memory_space<vmem>>
        %dma_wait3A_85 = arith.constant 0 : i32
        %dma_wait3A_86 = arith.constant 0 : i32
        %dma_wait3A_87 = tpu.memref_slice %arg11[%dma_wait3A_85, %dma_wait3A_86] : memref<10240x128xf32, #tpu.memory_space<vmem_shared>> -> memref<10240x128xf32, #tpu.memory_space<vmem_shared>>
        tpu.wait_indirect_dma semaphore(%run_scoped3A : memref<!tpu.dma_semaphore, #tpu.memory_space<semaphore_mem>>) src(%arg10 : memref<128x128xf32, #tpu.memory_space<vmem>>) dst(%dma_wait3A_87 : memref<10240x128xf32, #tpu.memory_space<vmem_shared>>)
        tpu.yield
      }) : () -> ()
    }
    %scan3A_34 = arith.constant 20 : i32
    %barrier3A_35 = arith.constant 0 : index
    tpu.barrier barrier_id(%barrier3A_35)
    %mul3A_36 = arith.constant 640 : i32
    %mul3A_37 = arith.muli %arg1, %mul3A_36 : i32
    %mul3A_38 = arith.constant 640 : i32
    %mul3A_39 = arith.muli %arg1, %mul3A_38 : i32
    "tpu.region"() ({
      %run_scoped3A = tpu.sem_alloc : memref<!tpu.dma_semaphore, #tpu.memory_space<semaphore_mem>>
      %dma_start3A_40 = arith.constant 0 : i32
      %dma_start3A_41 = tpu.memref_slice %arg6[%arg0, %mul3A_39, %dma_start3A_40] : memref<2x10240x128xf32, #tpu.memory_space<hbm>> -> memref<1x640x128xf32, #tpu.memory_space<hbm>>
      %dma_start3A_42 = tpu.memref_squeeze %dma_start3A_41 : memref<1x640x128xf32, #tpu.memory_space<hbm>> -> memref<640x128xf32, #tpu.memory_space<hbm>>
      %dma_start3A_43 = arith.constant 0 : i32
      %dma_start3A_44 = tpu.memref_slice %arg11[%mul3A_37, %dma_start3A_43] : memref<10240x128xf32, #tpu.memory_space<vmem_shared>> -> memref<640x128xf32, #tpu.memory_space<vmem_shared>>
      tpu.enqueue_dma source(%dma_start3A_44 : memref<640x128xf32, #tpu.memory_space<vmem_shared>>) target(%dma_start3A_42 : memref<640x128xf32, #tpu.memory_space<hbm>>) target_semaphore(%run_scoped3A : memref<!tpu.dma_semaphore, #tpu.memory_space<semaphore_mem>>)
      %dma_wait3A = arith.constant 0 : i32
      %dma_wait3A_45 = tpu.memref_slice %arg6[%arg0, %mul3A_39, %dma_wait3A] : memref<2x10240x128xf32, #tpu.memory_space<hbm>> -> memref<1x640x128xf32, #tpu.memory_space<hbm>>
      %dma_wait3A_46 = tpu.memref_squeeze %dma_wait3A_45 : memref<1x640x128xf32, #tpu.memory_space<hbm>> -> memref<640x128xf32, #tpu.memory_space<hbm>>
      %dma_wait3A_47 = arith.constant 0 : i32
      %dma_wait3A_48 = tpu.memref_slice %arg11[%mul3A_37, %dma_wait3A_47] : memref<10240x128xf32, #tpu.memory_space<vmem_shared>> -> memref<640x128xf32, #tpu.memory_space<vmem_shared>>
      tpu.wait_dma2 semaphore(%run_scoped3A : memref<!tpu.dma_semaphore, #tpu.memory_space<semaphore_mem>>) src(%dma_wait3A_48 : memref<640x128xf32, #tpu.memory_space<vmem_shared>>) dst(%dma_wait3A_46 : memref<640x128xf32, #tpu.memory_space<hbm>>)
      tpu.yield
    }) : () -> ()
    return
  }
}

#map = affine_map<(d0, d1) -> (0, 0)>
#map1 = affine_map<(d0, d1) -> (0, 0, 0)>
module attributes {stable_mosaic.version = 14 : i64} {
  func.func @_sc_cnt_body(%arg0: i32, %arg1: i32, %arg2: memref<2560x128xi32, #tpu.memory_space<hbm>>, %arg3: memref<2x10240x16xf32, #tpu.memory_space<hbm>>, %arg4: memref<80x128xi32, #tpu.memory_space<vmem>>, %arg5: memref<128x16xf32, #tpu.memory_space<vmem>>, %arg6: memref<10240x16xf32, #tpu.memory_space<vmem_shared>>, %arg7: memref<!tpu.dma_semaphore, #tpu.memory_space<semaphore_mem>>) attributes {dimension_semantics = [#tpu.dimension_semantics<core_parallel>, #tpu.dimension_semantics<subcore_parallel>], iteration_bounds = array<i64: 2, 16>, scalar_prefetch = 0 : i64, scratch_operands = 4 : i64, tpu.core_type = #tpu.core_type<sc_vector_subcore>, window_params = [{transform_indices = #map}, {transform_indices = #map1}]} {
    %mul3A = arith.constant 2 : i32
    %mul3A_0 = arith.muli %arg1, %mul3A : i32
    %add3A = arith.addi %mul3A_0, %arg0 : i32
    %scan3A = arith.constant 0 : i32
    %scan3A_1 = arith.constant 0 : i32
    %scan3A_2 = arith.constant 128 : i32
    %scan3A_3 = arith.addi %scan3A_1, %scan3A_2 : i32
    %scan3A_4 = arith.constant 1 : i32
    scf.for %scan3A_51 = %scan3A_1 to %scan3A_3 step %scan3A_4  : i32 {
      %broadcast_in_dim3A = arith.constant 0.000000e+00 : f32
      %broadcast_in_dim3A_52 = vector.broadcast %broadcast_in_dim3A : f32 to vector<16xf32>
      %swap3A = arith.index_cast %scan3A_51 : i32 to index
      %swap3A_53 = arith.constant 0 : index
      %swap3A_54 = tpu.vector_load %arg5[%swap3A, %swap3A_53] {strides = array<i32>} : memref<128x16xf32, #tpu.memory_space<vmem>>, vector<1x16xf32>,
      %swap3A_55 = vector.shape_cast %swap3A_54 : vector<1x16xf32> to vector<16xf32>
      %swap3A_56 = vector.shape_cast %broadcast_in_dim3A_52 : vector<16xf32> to vector<1x16xf32>
      tpu.vector_store %arg5[%swap3A, %swap3A_53], %swap3A_56 {strides = array<i32>} : memref<128x16xf32, #tpu.memory_space<vmem>>, vector<1x16xf32>,
    }
    %scan3A_5 = arith.constant 128 : i32
    %mul3A_6 = arith.constant 640 : i32
    %mul3A_7 = arith.muli %arg1, %mul3A_6 : i32
    %add3A_8 = arith.constant 0 : i32
    %add3A_9 = arith.addi %mul3A_7, %add3A_8 : i32
    "tpu.region"() ({
      %run_scoped3A = tpu.sem_alloc : memref<!tpu.dma_semaphore, #tpu.memory_space<semaphore_mem>>
      %dma_start3A = arith.constant 0 : i32
      %dma_start3A_51 = tpu.memref_slice %arg6[%add3A_9, %dma_start3A] : memref<10240x16xf32, #tpu.memory_space<vmem_shared>> -> memref<128x16xf32, #tpu.memory_space<vmem_shared>>
      %dma_start3A_52 = arith.constant 0 : i32
      %dma_start3A_53 = tpu.memref_slice %arg6[%add3A_9, %dma_start3A_52] : memref<10240x16xf32, #tpu.memory_space<vmem_shared>> -> memref<128x16xf32, #tpu.memory_space<vmem_shared>>
      tpu.enqueue_dma source(%arg5 : memref<128x16xf32, #tpu.memory_space<vmem>>) target(%dma_start3A_53 : memref<128x16xf32, #tpu.memory_space<vmem_shared>>) target_semaphore(%run_scoped3A : memref<!tpu.dma_semaphore, #tpu.memory_space<semaphore_mem>>)
      %dma_wait3A = arith.constant 0 : i32
      %dma_wait3A_54 = tpu.memref_slice %arg6[%add3A_9, %dma_wait3A] : memref<10240x16xf32, #tpu.memory_space<vmem_shared>> -> memref<128x16xf32, #tpu.memory_space<vmem_shared>>
      %dma_wait3A_55 = arith.constant 0 : i32
      %dma_wait3A_56 = tpu.memref_slice %arg6[%add3A_9, %dma_wait3A_55] : memref<10240x16xf32, #tpu.memory_space<vmem_shared>> -> memref<128x16xf32, #tpu.memory_space<vmem_shared>>
      tpu.wait_dma2 semaphore(%run_scoped3A : memref<!tpu.dma_semaphore, #tpu.memory_space<semaphore_mem>>) src(%arg5 : memref<128x16xf32, #tpu.memory_space<vmem>>) dst(%dma_wait3A_56 : memref<128x16xf32, #tpu.memory_space<vmem_shared>>)
      tpu.yield
    }) : () -> ()
    %mul3A_10 = arith.constant 640 : i32
    %mul3A_11 = arith.muli %arg1, %mul3A_10 : i32
    %add3A_12 = arith.constant 128 : i32
    %add3A_13 = arith.addi %mul3A_11, %add3A_12 : i32
    "tpu.region"() ({
      %run_scoped3A = tpu.sem_alloc : memref<!tpu.dma_semaphore, #tpu.memory_space<semaphore_mem>>
      %dma_start3A = arith.constant 0 : i32
      %dma_start3A_51 = tpu.memref_slice %arg6[%add3A_13, %dma_start3A] : memref<10240x16xf32, #tpu.memory_space<vmem_shared>> -> memref<128x16xf32, #tpu.memory_space<vmem_shared>>
      %dma_start3A_52 = arith.constant 0 : i32
      %dma_start3A_53 = tpu.memref_slice %arg6[%add3A_13, %dma_start3A_52] : memref<10240x16xf32, #tpu.memory_space<vmem_shared>> -> memref<128x16xf32, #tpu.memory_space<vmem_shared>>
      tpu.enqueue_dma source(%arg5 : memref<128x16xf32, #tpu.memory_space<vmem>>) target(%dma_start3A_53 : memref<128x16xf32, #tpu.memory_space<vmem_shared>>) target_semaphore(%run_scoped3A : memref<!tpu.dma_semaphore, #tpu.memory_space<semaphore_mem>>)
      %dma_wait3A = arith.constant 0 : i32
      %dma_wait3A_54 = tpu.memref_slice %arg6[%add3A_13, %dma_wait3A] : memref<10240x16xf32, #tpu.memory_space<vmem_shared>> -> memref<128x16xf32, #tpu.memory_space<vmem_shared>>
      %dma_wait3A_55 = arith.constant 0 : i32
      %dma_wait3A_56 = tpu.memref_slice %arg6[%add3A_13, %dma_wait3A_55] : memref<10240x16xf32, #tpu.memory_space<vmem_shared>> -> memref<128x16xf32, #tpu.memory_space<vmem_shared>>
      tpu.wait_dma2 semaphore(%run_scoped3A : memref<!tpu.dma_semaphore, #tpu.memory_space<semaphore_mem>>) src(%arg5 : memref<128x16xf32, #tpu.memory_space<vmem>>) dst(%dma_wait3A_56 : memref<128x16xf32, #tpu.memory_space<vmem_shared>>)
      tpu.yield
    }) : () -> ()
    %mul3A_14 = arith.constant 640 : i32
    %mul3A_15 = arith.muli %arg1, %mul3A_14 : i32
    %add3A_16 = arith.constant 256 : i32
    %add3A_17 = arith.addi %mul3A_15, %add3A_16 : i32
    "tpu.region"() ({
      %run_scoped3A = tpu.sem_alloc : memref<!tpu.dma_semaphore, #tpu.memory_space<semaphore_mem>>
      %dma_start3A = arith.constant 0 : i32
      %dma_start3A_51 = tpu.memref_slice %arg6[%add3A_17, %dma_start3A] : memref<10240x16xf32, #tpu.memory_space<vmem_shared>> -> memref<128x16xf32, #tpu.memory_space<vmem_shared>>
      %dma_start3A_52 = arith.constant 0 : i32
      %dma_start3A_53 = tpu.memref_slice %arg6[%add3A_17, %dma_start3A_52] : memref<10240x16xf32, #tpu.memory_space<vmem_shared>> -> memref<128x16xf32, #tpu.memory_space<vmem_shared>>
      tpu.enqueue_dma source(%arg5 : memref<128x16xf32, #tpu.memory_space<vmem>>) target(%dma_start3A_53 : memref<128x16xf32, #tpu.memory_space<vmem_shared>>) target_semaphore(%run_scoped3A : memref<!tpu.dma_semaphore, #tpu.memory_space<semaphore_mem>>)
      %dma_wait3A = arith.constant 0 : i32
      %dma_wait3A_54 = tpu.memref_slice %arg6[%add3A_17, %dma_wait3A] : memref<10240x16xf32, #tpu.memory_space<vmem_shared>> -> memref<128x16xf32, #tpu.memory_space<vmem_shared>>
      %dma_wait3A_55 = arith.constant 0 : i32
      %dma_wait3A_56 = tpu.memref_slice %arg6[%add3A_17, %dma_wait3A_55] : memref<10240x16xf32, #tpu.memory_space<vmem_shared>> -> memref<128x16xf32, #tpu.memory_space<vmem_shared>>
      tpu.wait_dma2 semaphore(%run_scoped3A : memref<!tpu.dma_semaphore, #tpu.memory_space<semaphore_mem>>) src(%arg5 : memref<128x16xf32, #tpu.memory_space<vmem>>) dst(%dma_wait3A_56 : memref<128x16xf32, #tpu.memory_space<vmem_shared>>)
      tpu.yield
    }) : () -> ()
    %mul3A_18 = arith.constant 640 : i32
    %mul3A_19 = arith.muli %arg1, %mul3A_18 : i32
    %add3A_20 = arith.constant 384 : i32
    %add3A_21 = arith.addi %mul3A_19, %add3A_20 : i32
    "tpu.region"() ({
      %run_scoped3A = tpu.sem_alloc : memref<!tpu.dma_semaphore, #tpu.memory_space<semaphore_mem>>
      %dma_start3A = arith.constant 0 : i32
      %dma_start3A_51 = tpu.memref_slice %arg6[%add3A_21, %dma_start3A] : memref<10240x16xf32, #tpu.memory_space<vmem_shared>> -> memref<128x16xf32, #tpu.memory_space<vmem_shared>>
      %dma_start3A_52 = arith.constant 0 : i32
      %dma_start3A_53 = tpu.memref_slice %arg6[%add3A_21, %dma_start3A_52] : memref<10240x16xf32, #tpu.memory_space<vmem_shared>> -> memref<128x16xf32, #tpu.memory_space<vmem_shared>>
      tpu.enqueue_dma source(%arg5 : memref<128x16xf32, #tpu.memory_space<vmem>>) target(%dma_start3A_53 : memref<128x16xf32, #tpu.memory_space<vmem_shared>>) target_semaphore(%run_scoped3A : memref<!tpu.dma_semaphore, #tpu.memory_space<semaphore_mem>>)
      %dma_wait3A = arith.constant 0 : i32
      %dma_wait3A_54 = tpu.memref_slice %arg6[%add3A_21, %dma_wait3A] : memref<10240x16xf32, #tpu.memory_space<vmem_shared>> -> memref<128x16xf32, #tpu.memory_space<vmem_shared>>
      %dma_wait3A_55 = arith.constant 0 : i32
      %dma_wait3A_56 = tpu.memref_slice %arg6[%add3A_21, %dma_wait3A_55] : memref<10240x16xf32, #tpu.memory_space<vmem_shared>> -> memref<128x16xf32, #tpu.memory_space<vmem_shared>>
      tpu.wait_dma2 semaphore(%run_scoped3A : memref<!tpu.dma_semaphore, #tpu.memory_space<semaphore_mem>>) src(%arg5 : memref<128x16xf32, #tpu.memory_space<vmem>>) dst(%dma_wait3A_56 : memref<128x16xf32, #tpu.memory_space<vmem_shared>>)
      tpu.yield
    }) : () -> ()
    %mul3A_22 = arith.constant 640 : i32
    %mul3A_23 = arith.muli %arg1, %mul3A_22 : i32
    %add3A_24 = arith.constant 512 : i32
    %add3A_25 = arith.addi %mul3A_23, %add3A_24 : i32
    "tpu.region"() ({
      %run_scoped3A = tpu.sem_alloc : memref<!tpu.dma_semaphore, #tpu.memory_space<semaphore_mem>>
      %dma_start3A = arith.constant 0 : i32
      %dma_start3A_51 = tpu.memref_slice %arg6[%add3A_25, %dma_start3A] : memref<10240x16xf32, #tpu.memory_space<vmem_shared>> -> memref<128x16xf32, #tpu.memory_space<vmem_shared>>
      %dma_start3A_52 = arith.constant 0 : i32
      %dma_start3A_53 = tpu.memref_slice %arg6[%add3A_25, %dma_start3A_52] : memref<10240x16xf32, #tpu.memory_space<vmem_shared>> -> memref<128x16xf32, #tpu.memory_space<vmem_shared>>
      tpu.enqueue_dma source(%arg5 : memref<128x16xf32, #tpu.memory_space<vmem>>) target(%dma_start3A_53 : memref<128x16xf32, #tpu.memory_space<vmem_shared>>) target_semaphore(%run_scoped3A : memref<!tpu.dma_semaphore, #tpu.memory_space<semaphore_mem>>)
      %dma_wait3A = arith.constant 0 : i32
      %dma_wait3A_54 = tpu.memref_slice %arg6[%add3A_25, %dma_wait3A] : memref<10240x16xf32, #tpu.memory_space<vmem_shared>> -> memref<128x16xf32, #tpu.memory_space<vmem_shared>>
      %dma_wait3A_55 = arith.constant 0 : i32
      %dma_wait3A_56 = tpu.memref_slice %arg6[%add3A_25, %dma_wait3A_55] : memref<10240x16xf32, #tpu.memory_space<vmem_shared>> -> memref<128x16xf32, #tpu.memory_space<vmem_shared>>
      tpu.wait_dma2 semaphore(%run_scoped3A : memref<!tpu.dma_semaphore, #tpu.memory_space<semaphore_mem>>) src(%arg5 : memref<128x16xf32, #tpu.memory_space<vmem>>) dst(%dma_wait3A_56 : memref<128x16xf32, #tpu.memory_space<vmem_shared>>)
      tpu.yield
    }) : () -> ()
    %scan3A_26 = arith.constant 0 : i32
    %scan3A_27 = arith.constant 0 : i32
    %scan3A_28 = arith.constant 128 : i32
    %scan3A_29 = arith.addi %scan3A_27, %scan3A_28 : i32
    %scan3A_30 = arith.constant 1 : i32
    scf.for %scan3A_51 = %scan3A_27 to %scan3A_29 step %scan3A_30  : i32 {
      %broadcast_in_dim3A = arith.constant 1.000000e+00 : f32
      %broadcast_in_dim3A_52 = vector.broadcast %broadcast_in_dim3A : f32 to vector<16xf32>
      %swap3A = arith.index_cast %scan3A_51 : i32 to index
      %swap3A_53 = arith.constant 0 : index
      %swap3A_54 = tpu.vector_load %arg5[%swap3A, %swap3A_53] {strides = array<i32>} : memref<128x16xf32, #tpu.memory_space<vmem>>, vector<1x16xf32>,
      %swap3A_55 = vector.shape_cast %swap3A_54 : vector<1x16xf32> to vector<16xf32>
      %swap3A_56 = vector.shape_cast %broadcast_in_dim3A_52 : vector<16xf32> to vector<1x16xf32>
      tpu.vector_store %arg5[%swap3A, %swap3A_53], %swap3A_56 {strides = array<i32>} : memref<128x16xf32, #tpu.memory_space<vmem>>, vector<1x16xf32>,
    }
    %scan3A_31 = arith.constant 128 : i32
    %mul3A_32 = arith.constant 80 : i32
    %mul3A_33 = arith.muli %add3A, %mul3A_32 : i32
    "tpu.region"() ({
      %run_scoped3A = tpu.sem_alloc : memref<!tpu.dma_semaphore, #tpu.memory_space<semaphore_mem>>
      %dma_start3A = arith.constant 0 : i32
      %dma_start3A_51 = tpu.memref_slice %arg2[%mul3A_33, %dma_start3A] : memref<2560x128xi32, #tpu.memory_space<hbm>> -> memref<80x128xi32, #tpu.memory_space<hbm>>
      %dma_start3A_52 = arith.constant 0 : i32
      %dma_start3A_53 = tpu.memref_slice %arg2[%mul3A_33, %dma_start3A_52] : memref<2560x128xi32, #tpu.memory_space<hbm>> -> memref<80x128xi32, #tpu.memory_space<hbm>>
      tpu.enqueue_dma source(%dma_start3A_53 : memref<80x128xi32, #tpu.memory_space<hbm>>) target(%arg4 : memref<80x128xi32, #tpu.memory_space<vmem>>) target_semaphore(%run_scoped3A : memref<!tpu.dma_semaphore, #tpu.memory_space<semaphore_mem>>)
      %dma_wait3A = arith.constant 0 : i32
      %dma_wait3A_54 = tpu.memref_slice %arg2[%mul3A_33, %dma_wait3A] : memref<2560x128xi32, #tpu.memory_space<hbm>> -> memref<80x128xi32, #tpu.memory_space<hbm>>
      %dma_wait3A_55 = arith.constant 0 : i32
      %dma_wait3A_56 = tpu.memref_slice %arg2[%mul3A_33, %dma_wait3A_55] : memref<2560x128xi32, #tpu.memory_space<hbm>> -> memref<80x128xi32, #tpu.memory_space<hbm>>
      tpu.wait_dma2 semaphore(%run_scoped3A : memref<!tpu.dma_semaphore, #tpu.memory_space<semaphore_mem>>) src(%dma_wait3A_56 : memref<80x128xi32, #tpu.memory_space<hbm>>) dst(%arg4 : memref<80x128xi32, #tpu.memory_space<vmem>>)
      tpu.yield
    }) : () -> ()
    %barrier3A = arith.constant 0 : index
    tpu.barrier barrier_id(%barrier3A)
    %scan3A_34 = arith.constant 0 : i32
    %scan3A_35 = arith.constant 0 : i32
    %scan3A_36 = arith.constant 80 : i32
    %scan3A_37 = arith.addi %scan3A_35, %scan3A_36 : i32
    %scan3A_38 = arith.constant 1 : i32
    scf.for %scan3A_51 = %scan3A_35 to %scan3A_37 step %scan3A_38  : i32 {
      %dma_start3A = arith.constant 0 : i32
      %dma_start3A_52 = tpu.memref_slice %arg4[%scan3A_51, %dma_start3A] : memref<80x128xi32, #tpu.memory_space<vmem>> -> memref<1x128xi32, #tpu.memory_space<vmem>>
      %dma_start3A_53 = tpu.memref_squeeze %dma_start3A_52 : memref<1x128xi32, #tpu.memory_space<vmem>> -> memref<128xi32, #tpu.memory_space<vmem>>
      %dma_start3A_54 = arith.constant 0 : i32
      %dma_start3A_55 = arith.constant 0 : i32
      %dma_start3A_56 = tpu.memref_slice %arg6[%dma_start3A_54, %dma_start3A_55] : memref<10240x16xf32, #tpu.memory_space<vmem_shared>> -> memref<10240x16xf32, #tpu.memory_space<vmem_shared>>
      tpu.enqueue_indirect_dma source(%arg5 : memref<128x16xf32, #tpu.memory_space<vmem>>) target(%dma_start3A_56 : memref<10240x16xf32, #tpu.memory_space<vmem_shared>>) offsets(%dma_start3A_53 : memref<128xi32, #tpu.memory_space<vmem>>) semaphore(%arg7 : memref<!tpu.dma_semaphore, #tpu.memory_space<semaphore_mem>>) {add = true}
    }
    %scan3A_39 = arith.constant 80 : i32
    %scan3A_40 = arith.constant 0 : i32
    %scan3A_41 = arith.constant 0 : i32
    %scan3A_42 = arith.constant 80 : i32
    %scan3A_43 = arith.addi %scan3A_41, %scan3A_42 : i32
    %scan3A_44 = arith.constant 1 : i32
    scf.for %scan3A_51 = %scan3A_41 to %scan3A_43 step %scan3A_44  : i32 {
      %dma_wait3A = arith.constant 0 : i32
      %dma_wait3A_52 = arith.constant 0 : i32
      %dma_wait3A_53 = tpu.memref_slice %arg4[%dma_wait3A, %dma_wait3A_52] : memref<80x128xi32, #tpu.memory_space<vmem>> -> memref<1x128xi32, #tpu.memory_space<vmem>>
      %dma_wait3A_54 = tpu.memref_squeeze %dma_wait3A_53 : memref<1x128xi32, #tpu.memory_space<vmem>> -> memref<128xi32, #tpu.memory_space<vmem>>
      %dma_wait3A_55 = arith.constant 0 : i32
      %dma_wait3A_56 = arith.constant 0 : i32
      %dma_wait3A_57 = tpu.memref_slice %arg6[%dma_wait3A_55, %dma_wait3A_56] : memref<10240x16xf32, #tpu.memory_space<vmem_shared>> -> memref<10240x16xf32, #tpu.memory_space<vmem_shared>>
      tpu.wait_indirect_dma semaphore(%arg7 : memref<!tpu.dma_semaphore, #tpu.memory_space<semaphore_mem>>) src(%arg5 : memref<128x16xf32, #tpu.memory_space<vmem>>) dst(%dma_wait3A_57 : memref<10240x16xf32, #tpu.memory_space<vmem_shared>>)
    }
    %scan3A_45 = arith.constant 80 : i32
    %barrier3A_46 = arith.constant 0 : index
    tpu.barrier barrier_id(%barrier3A_46)
    %mul3A_47 = arith.constant 640 : i32
    %mul3A_48 = arith.muli %arg1, %mul3A_47 : i32
    %mul3A_49 = arith.constant 640 : i32
    %mul3A_50 = arith.muli %arg1, %mul3A_49 : i32
    "tpu.region"() ({
      %run_scoped3A = tpu.sem_alloc : memref<!tpu.dma_semaphore, #tpu.memory_space<semaphore_mem>>
      %dma_start3A = arith.constant 0 : i32
      %dma_start3A_51 = tpu.memref_slice %arg3[%arg0, %mul3A_50, %dma_start3A] : memref<2x10240x16xf32, #tpu.memory_space<hbm>> -> memref<1x640x16xf32, #tpu.memory_space<hbm>>
      %dma_start3A_52 = tpu.memref_squeeze %dma_start3A_51 : memref<1x640x16xf32, #tpu.memory_space<hbm>> -> memref<640x16xf32, #tpu.memory_space<hbm>>
      %dma_start3A_53 = arith.constant 0 : i32
      %dma_start3A_54 = tpu.memref_slice %arg6[%mul3A_48, %dma_start3A_53] : memref<10240x16xf32, #tpu.memory_space<vmem_shared>> -> memref<640x16xf32, #tpu.memory_space<vmem_shared>>
      tpu.enqueue_dma source(%dma_start3A_54 : memref<640x16xf32, #tpu.memory_space<vmem_shared>>) target(%dma_start3A_52 : memref<640x16xf32, #tpu.memory_space<hbm>>) target_semaphore(%run_scoped3A : memref<!tpu.dma_semaphore, #tpu.memory_space<semaphore_mem>>)
      %dma_wait3A = arith.constant 0 : i32
      %dma_wait3A_55 = tpu.memref_slice %arg3[%arg0, %mul3A_50, %dma_wait3A] : memref<2x10240x16xf32, #tpu.memory_space<hbm>> -> memref<1x640x16xf32, #tpu.memory_space<hbm>>
      %dma_wait3A_56 = tpu.memref_squeeze %dma_wait3A_55 : memref<1x640x16xf32, #tpu.memory_space<hbm>> -> memref<640x16xf32, #tpu.memory_space<hbm>>
      %dma_wait3A_57 = arith.constant 0 : i32
      %dma_wait3A_58 = tpu.memref_slice %arg6[%mul3A_48, %dma_wait3A_57] : memref<10240x16xf32, #tpu.memory_space<vmem_shared>> -> memref<640x16xf32, #tpu.memory_space<vmem_shared>>
      tpu.wait_dma2 semaphore(%run_scoped3A : memref<!tpu.dma_semaphore, #tpu.memory_space<semaphore_mem>>) src(%dma_wait3A_58 : memref<640x16xf32, #tpu.memory_space<vmem_shared>>) dst(%dma_wait3A_56 : memref<640x16xf32, #tpu.memory_space<hbm>>)
      tpu.yield
    }) : () -> ()
    return
  }
}

module attributes {stable_mosaic.version = 14 : i64} {
  func.func @_tc_a_body(%arg0: i32, %arg1: memref<1024x176xf32, #tpu.memory_space<vmem>>, %arg2: memref<176x128xf32, #tpu.memory_space<vmem>>, %arg3: memref<176x128xf32, #tpu.memory_space<vmem>>, %arg4: memref<1x128xf32, #tpu.memory_space<vmem>>, %arg5: memref<1024x128xf32, #tpu.memory_space<vmem>>, %arg6: memref<1024x128xf32, #tpu.memory_space<vmem>>) attributes {dimension_semantics = [#tpu.dimension_semantics<arbitrary>], iteration_bounds = array<i64: 10>, scalar_prefetch = 0 : i64, scratch_operands = 0 : i64, tpu.core_type = #tpu.core_type<tc>, window_params = [{transform_indices = @transform_0, window_bounds = array<i64: 1024, 176>}, {pipeline_mode = #tpu.pipeline_mode<synchronous>, transform_indices = @transform_1, window_bounds = array<i64: 176, 128>}, {pipeline_mode = #tpu.pipeline_mode<synchronous>, transform_indices = @transform_2, window_bounds = array<i64: 176, 128>}, {pipeline_mode = #tpu.pipeline_mode<synchronous>, transform_indices = @transform_3, window_bounds = array<i64: 1, 128>}, {transform_indices = @transform_4, window_bounds = array<i64: 1024, 128>}, {transform_indices = @transform_5, window_bounds = array<i64: 1024, 128>}]} {
    %get3A = arith.constant 0 : index
    %get3A_0 = arith.constant 0 : index
    %get3A_1 = vector.load %arg1[%get3A, %get3A_0] : memref<1024x176xf32, #tpu.memory_space<vmem>>, vector<1024x176xf32>
    %get3A_2 = arith.constant 0 : index
    %get3A_3 = arith.constant 0 : index
    %get3A_4 = vector.load %arg2[%get3A_2, %get3A_3] : memref<176x128xf32, #tpu.memory_space<vmem>>, vector<176x128xf32>
    %dot_general3A = arith.constant dense<0.000000e+00> : vector<1024x128xf32>
    %dot_general3A_5 = tpu.matmul %get3A_1, %get3A_4, %dot_general3A {dimension_numbers = #tpu.dot_dimension_numbers<[1], [0], [0], [1], [0, 0, 1, 1], [], []>, transpose_lhs_hint = false} : vector<1024x176xf32>, vector<176x128xf32>, vector<1024x128xf32> -> vector<1024x128xf32>
    %swap3A = arith.constant 0 : index
    %swap3A_6 = arith.constant 0 : index
    %swap3A_7 = vector.load %arg5[%swap3A, %swap3A_6] : memref<1024x128xf32, #tpu.memory_space<vmem>>, vector<1024x128xf32>
    tpu.vector_store %arg5[%swap3A, %swap3A_6], %dot_general3A_5 {strides = array<i32>} : memref<1024x128xf32, #tpu.memory_space<vmem>>, vector<1024x128xf32>,
    %get3A_8 = arith.constant 0 : index
    %get3A_9 = arith.constant 0 : index
    %get3A_10 = vector.load %arg3[%get3A_8, %get3A_9] : memref<176x128xf32, #tpu.memory_space<vmem>>, vector<176x128xf32>
    %dot_general3A_11 = arith.constant dense<0.000000e+00> : vector<1024x128xf32>
    %dot_general3A_12 = tpu.matmul %get3A_1, %get3A_10, %dot_general3A_11 {dimension_numbers = #tpu.dot_dimension_numbers<[1], [0], [0], [1], [0, 0, 1, 1], [], []>, transpose_lhs_hint = false} : vector<1024x176xf32>, vector<176x128xf32>, vector<1024x128xf32> -> vector<1024x128xf32>
    %get3A_13 = arith.constant 0 : index
    %get3A_14 = arith.constant 0 : index
    %get3A_15 = vector.load %arg4[%get3A_13, %get3A_14] : memref<1x128xf32, #tpu.memory_space<vmem>>, vector<1x128xf32>
    %add3A = vector.broadcast %get3A_15 : vector<1x128xf32> to vector<1024x128xf32>
    %add3A_16 = arith.addf %dot_general3A_12, %add3A : vector<1024x128xf32>
    %swap3A_17 = arith.constant 0 : index
    %swap3A_18 = arith.constant 0 : index
    %swap3A_19 = vector.load %arg6[%swap3A_17, %swap3A_18] : memref<1024x128xf32, #tpu.memory_space<vmem>>, vector<1024x128xf32>
    tpu.vector_store %arg6[%swap3A_17, %swap3A_18], %add3A_16 {strides = array<i32>} : memref<1024x128xf32, #tpu.memory_space<vmem>>, vector<1024x128xf32>,
    return
  }
  func.func @transform_0(%arg0: i32) -> (i32, i32) {
    %c0_i32 = arith.constant 0 : i32
    %c0_i32_0 = arith.constant 0 : i32
    return %arg0, %c0_i32 : i32, i32
  }
  func.func @transform_1(%arg0: i32) -> (i32, i32) {
    %c0_i32 = arith.constant 0 : i32
    %c0_i32_0 = arith.constant 0 : i32
    %c0_i32_1 = arith.constant 0 : i32
    return %c0_i32, %c0_i32_0 : i32, i32
  }
  func.func @transform_2(%arg0: i32) -> (i32, i32) {
    %c0_i32 = arith.constant 0 : i32
    %c0_i32_0 = arith.constant 0 : i32
    %c0_i32_1 = arith.constant 0 : i32
    return %c0_i32, %c0_i32_0 : i32, i32
  }
  func.func @transform_3(%arg0: i32) -> (i32, i32) {
    %c0_i32 = arith.constant 0 : i32
    %c0_i32_0 = arith.constant 0 : i32
    %c0_i32_1 = arith.constant 0 : i32
    return %c0_i32, %c0_i32_0 : i32, i32
  }
  func.func @transform_4(%arg0: i32) -> (i32, i32) {
    %c0_i32 = arith.constant 0 : i32
    %c0_i32_0 = arith.constant 0 : i32
    return %arg0, %c0_i32 : i32, i32
  }
  func.func @transform_5(%arg0: i32) -> (i32, i32) {
    %c0_i32 = arith.constant 0 : i32
    %c0_i32_0 = arith.constant 0 : i32
    return %arg0, %c0_i32 : i32, i32
  }
}

module attributes {stable_mosaic.version = 14 : i64} {
  func.func @_tc_c_body(%arg0: i32, %arg1: memref<2x1024x128xf32, #tpu.memory_space<vmem>>, %arg2: memref<2x1024x16xf32, #tpu.memory_space<vmem>>, %arg3: memref<1024x128xf32, #tpu.memory_space<vmem>>, %arg4: memref<128x16xf32, #tpu.memory_space<vmem>>, %arg5: memref<128x16xf32, #tpu.memory_space<vmem>>, %arg6: memref<1x16xf32, #tpu.memory_space<vmem>>, %arg7: memref<1024x16xf32, #tpu.memory_space<vmem>>, %arg8: memref<1024x16xf32, #tpu.memory_space<vmem>>) attributes {dimension_semantics = [#tpu.dimension_semantics<arbitrary>], iteration_bounds = array<i64: 10>, scalar_prefetch = 0 : i64, scratch_operands = 0 : i64, tpu.core_type = #tpu.core_type<tc>, window_params = [{transform_indices = @transform_0, window_bounds = array<i64: 2, 1024, 128>}, {transform_indices = @transform_1, window_bounds = array<i64: 2, 1024, 16>}, {transform_indices = @transform_2, window_bounds = array<i64: 1024, 128>}, {pipeline_mode = #tpu.pipeline_mode<synchronous>, transform_indices = @transform_3, window_bounds = array<i64: 128, 16>}, {pipeline_mode = #tpu.pipeline_mode<synchronous>, transform_indices = @transform_4, window_bounds = array<i64: 128, 16>}, {pipeline_mode = #tpu.pipeline_mode<synchronous>, transform_indices = @transform_5, window_bounds = array<i64: 1, 16>}, {transform_indices = @transform_6, window_bounds = array<i64: 1024, 16>}, {transform_indices = @transform_7, window_bounds = array<i64: 1024, 16>}]} {
    %get3A = arith.constant 0 : index
    %get3A_0 = arith.constant 0 : index
    %get3A_1 = arith.constant 0 : index
    %get3A_2 = vector.load %arg2[%get3A, %get3A_0, %get3A_1] : memref<2x1024x16xf32, #tpu.memory_space<vmem>>, vector<1x1024x1xf32>
    %get3A_3 = vector.shape_cast %get3A_2 : vector<1x1024x1xf32> to vector<1024x1xf32>
    %get3A_4 = arith.constant 1 : index
    %get3A_5 = arith.constant 0 : index
    %get3A_6 = arith.constant 0 : index
    %get3A_7 = vector.load %arg2[%get3A_4, %get3A_5, %get3A_6] : memref<2x1024x16xf32, #tpu.memory_space<vmem>>, vector<1x1024x1xf32>
    %get3A_8 = vector.shape_cast %get3A_7 : vector<1x1024x1xf32> to vector<1024x1xf32>
    %add3A = arith.addf %get3A_3, %get3A_8 : vector<1024x1xf32>
    %get3A_9 = arith.constant 0 : index
    %get3A_10 = arith.constant 0 : index
    %get3A_11 = arith.constant 0 : index
    %get3A_12 = vector.load %arg1[%get3A_9, %get3A_10, %get3A_11] : memref<2x1024x128xf32, #tpu.memory_space<vmem>>, vector<1x1024x128xf32>
    %get3A_13 = vector.shape_cast %get3A_12 : vector<1x1024x128xf32> to vector<1024x128xf32>
    %get3A_14 = arith.constant 1 : index
    %get3A_15 = arith.constant 0 : index
    %get3A_16 = arith.constant 0 : index
    %get3A_17 = vector.load %arg1[%get3A_14, %get3A_15, %get3A_16] : memref<2x1024x128xf32, #tpu.memory_space<vmem>>, vector<1x1024x128xf32>
    %get3A_18 = vector.shape_cast %get3A_17 : vector<1x1024x128xf32> to vector<1024x128xf32>
    %add3A_19 = arith.addf %get3A_13, %get3A_18 : vector<1024x128xf32>
    %max3A = arith.constant 1.000000e+00 : f32
    %max3A_20 = vector.broadcast %max3A : f32 to vector<1024x1xf32>
    %max3A_21 = arith.maximumf %add3A, %max3A_20 : vector<1024x1xf32>
    %div3A = vector.broadcast %max3A_21 : vector<1024x1xf32> to vector<1024x128xf32>
    %div3A_22 = arith.divf %add3A_19, %div3A : vector<1024x128xf32>
    %get3A_23 = arith.constant 0 : index
    %get3A_24 = arith.constant 0 : index
    %get3A_25 = vector.load %arg3[%get3A_23, %get3A_24] : memref<1024x128xf32, #tpu.memory_space<vmem>>, vector<1024x128xf32>
    %add3A_26 = arith.addf %div3A_22, %get3A_25 : vector<1024x128xf32>
    %max3A_27 = arith.constant 0.000000e+00 : f32
    %max3A_28 = vector.broadcast %max3A_27 : f32 to vector<1024x128xf32>
    %max3A_29 = arith.maximumf %add3A_26, %max3A_28 : vector<1024x128xf32>
    %get3A_30 = arith.constant 0 : index
    %get3A_31 = arith.constant 0 : index
    %get3A_32 = vector.load %arg4[%get3A_30, %get3A_31] : memref<128x16xf32, #tpu.memory_space<vmem>>, vector<128x16xf32>
    %dot_general3A = arith.constant dense<0.000000e+00> : vector<1024x16xf32>
    %dot_general3A_33 = tpu.matmul %max3A_29, %get3A_32, %dot_general3A {dimension_numbers = #tpu.dot_dimension_numbers<[1], [0], [0], [1], [0, 0, 1, 1], [], []>, transpose_lhs_hint = false} : vector<1024x128xf32>, vector<128x16xf32>, vector<1024x16xf32> -> vector<1024x16xf32>
    %swap3A = arith.constant 0 : index
    %swap3A_34 = arith.constant 0 : index
    %swap3A_35 = vector.load %arg7[%swap3A, %swap3A_34] : memref<1024x16xf32, #tpu.memory_space<vmem>>, vector<1024x16xf32>
    tpu.vector_store %arg7[%swap3A, %swap3A_34], %dot_general3A_33 {strides = array<i32>} : memref<1024x16xf32, #tpu.memory_space<vmem>>, vector<1024x16xf32>,
    %get3A_36 = arith.constant 0 : index
    %get3A_37 = arith.constant 0 : index
    %get3A_38 = vector.load %arg5[%get3A_36, %get3A_37] : memref<128x16xf32, #tpu.memory_space<vmem>>, vector<128x16xf32>
    %dot_general3A_39 = arith.constant dense<0.000000e+00> : vector<1024x16xf32>
    %dot_general3A_40 = tpu.matmul %max3A_29, %get3A_38, %dot_general3A_39 {dimension_numbers = #tpu.dot_dimension_numbers<[1], [0], [0], [1], [0, 0, 1, 1], [], []>, transpose_lhs_hint = false} : vector<1024x128xf32>, vector<128x16xf32>, vector<1024x16xf32> -> vector<1024x16xf32>
    %get3A_41 = arith.constant 0 : index
    %get3A_42 = arith.constant 0 : index
    %get3A_43 = vector.load %arg6[%get3A_41, %get3A_42] : memref<1x16xf32, #tpu.memory_space<vmem>>, vector<1x16xf32>
    %add3A_44 = vector.broadcast %get3A_43 : vector<1x16xf32> to vector<1024x16xf32>
    %add3A_45 = arith.addf %dot_general3A_40, %add3A_44 : vector<1024x16xf32>
    %swap3A_46 = arith.constant 0 : index
    %swap3A_47 = arith.constant 0 : index
    %swap3A_48 = vector.load %arg8[%swap3A_46, %swap3A_47] : memref<1024x16xf32, #tpu.memory_space<vmem>>, vector<1024x16xf32>
    tpu.vector_store %arg8[%swap3A_46, %swap3A_47], %add3A_45 {strides = array<i32>} : memref<1024x16xf32, #tpu.memory_space<vmem>>, vector<1024x16xf32>,
    return
  }
  func.func @transform_0(%arg0: i32) -> (i32, i32, i32) {
    %c0_i32 = arith.constant 0 : i32
    %c0_i32_0 = arith.constant 0 : i32
    %c0_i32_1 = arith.constant 0 : i32
    return %c0_i32, %arg0, %c0_i32_0 : i32, i32, i32
  }
  func.func @transform_1(%arg0: i32) -> (i32, i32, i32) {
    %c0_i32 = arith.constant 0 : i32
    %c0_i32_0 = arith.constant 0 : i32
    %c0_i32_1 = arith.constant 0 : i32
    return %c0_i32, %arg0, %c0_i32_0 : i32, i32, i32
  }
  func.func @transform_2(%arg0: i32) -> (i32, i32) {
    %c0_i32 = arith.constant 0 : i32
    %c0_i32_0 = arith.constant 0 : i32
    return %arg0, %c0_i32 : i32, i32
  }
  func.func @transform_3(%arg0: i32) -> (i32, i32) {
    %c0_i32 = arith.constant 0 : i32
    %c0_i32_0 = arith.constant 0 : i32
    %c0_i32_1 = arith.constant 0 : i32
    return %c0_i32, %c0_i32_0 : i32, i32
  }
  func.func @transform_4(%arg0: i32) -> (i32, i32) {
    %c0_i32 = arith.constant 0 : i32
    %c0_i32_0 = arith.constant 0 : i32
    %c0_i32_1 = arith.constant 0 : i32
    return %c0_i32, %c0_i32_0 : i32, i32
  }
  func.func @transform_5(%arg0: i32) -> (i32, i32) {
    %c0_i32 = arith.constant 0 : i32
    %c0_i32_0 = arith.constant 0 : i32
    %c0_i32_1 = arith.constant 0 : i32
    return %c0_i32, %c0_i32_0 : i32, i32
  }
  func.func @transform_6(%arg0: i32) -> (i32, i32) {
    %c0_i32 = arith.constant 0 : i32
    %c0_i32_0 = arith.constant 0 : i32
    return %arg0, %c0_i32 : i32, i32
  }
  func.func @transform_7(%arg0: i32) -> (i32, i32) {
    %c0_i32 = arith.constant 0 : i32
    %c0_i32_0 = arith.constant 0 : i32
    return %arg0, %c0_i32 : i32, i32
  }
}

module attributes {stable_mosaic.version = 14 : i64} {
  func.func @_tc_e_body(%arg0: i32, %arg1: memref<2x1024x16xf32, #tpu.memory_space<vmem>>, %arg2: memref<2x1024x16xf32, #tpu.memory_space<vmem>>, %arg3: memref<1024x16xf32, #tpu.memory_space<vmem>>, %arg4: memref<1024x16xf32, #tpu.memory_space<vmem>>) attributes {dimension_semantics = [#tpu.dimension_semantics<arbitrary>], iteration_bounds = array<i64: 10>, scalar_prefetch = 0 : i64, scratch_operands = 0 : i64, tpu.core_type = #tpu.core_type<tc>, window_params = [{transform_indices = @transform_0, window_bounds = array<i64: 2, 1024, 16>}, {transform_indices = @transform_1, window_bounds = array<i64: 2, 1024, 16>}, {transform_indices = @transform_2, window_bounds = array<i64: 1024, 16>}, {transform_indices = @transform_3, window_bounds = array<i64: 1024, 16>}]} {
    %get3A = arith.constant 0 : index
    %get3A_0 = arith.constant 0 : index
    %get3A_1 = arith.constant 0 : index
    %get3A_2 = vector.load %arg2[%get3A, %get3A_0, %get3A_1] : memref<2x1024x16xf32, #tpu.memory_space<vmem>>, vector<1x1024x1xf32>
    %get3A_3 = vector.shape_cast %get3A_2 : vector<1x1024x1xf32> to vector<1024x1xf32>
    %get3A_4 = arith.constant 1 : index
    %get3A_5 = arith.constant 0 : index
    %get3A_6 = arith.constant 0 : index
    %get3A_7 = vector.load %arg2[%get3A_4, %get3A_5, %get3A_6] : memref<2x1024x16xf32, #tpu.memory_space<vmem>>, vector<1x1024x1xf32>
    %get3A_8 = vector.shape_cast %get3A_7 : vector<1x1024x1xf32> to vector<1024x1xf32>
    %add3A = arith.addf %get3A_3, %get3A_8 : vector<1024x1xf32>
    %get3A_9 = arith.constant 0 : index
    %get3A_10 = arith.constant 0 : index
    %get3A_11 = arith.constant 0 : index
    %get3A_12 = vector.load %arg1[%get3A_9, %get3A_10, %get3A_11] : memref<2x1024x16xf32, #tpu.memory_space<vmem>>, vector<1x1024x16xf32>
    %get3A_13 = vector.shape_cast %get3A_12 : vector<1x1024x16xf32> to vector<1024x16xf32>
    %get3A_14 = arith.constant 1 : index
    %get3A_15 = arith.constant 0 : index
    %get3A_16 = arith.constant 0 : index
    %get3A_17 = vector.load %arg1[%get3A_14, %get3A_15, %get3A_16] : memref<2x1024x16xf32, #tpu.memory_space<vmem>>, vector<1x1024x16xf32>
    %get3A_18 = vector.shape_cast %get3A_17 : vector<1x1024x16xf32> to vector<1024x16xf32>
    %add3A_19 = arith.addf %get3A_13, %get3A_18 : vector<1024x16xf32>
    %max3A = arith.constant 1.000000e+00 : f32
    %max3A_20 = vector.broadcast %max3A : f32 to vector<1024x1xf32>
    %max3A_21 = arith.maximumf %add3A, %max3A_20 : vector<1024x1xf32>
    %div3A = vector.broadcast %max3A_21 : vector<1024x1xf32> to vector<1024x16xf32>
    %div3A_22 = arith.divf %add3A_19, %div3A : vector<1024x16xf32>
    %get3A_23 = arith.constant 0 : index
    %get3A_24 = arith.constant 0 : index
    %get3A_25 = vector.load %arg3[%get3A_23, %get3A_24] : memref<1024x16xf32, #tpu.memory_space<vmem>>, vector<1024x16xf32>
    %add3A_26 = arith.addf %div3A_22, %get3A_25 : vector<1024x16xf32>
    %slice3A = vector.extract_strided_slice %add3A_26 {offsets = [0, 0], sizes = [1024, 1], strides = [1, 1]} : vector<1024x16xf32> to vector<1024x1xf32>
    %slice3A_27 = vector.extract_strided_slice %add3A_26 {offsets = [0, 1], sizes = [1024, 1], strides = [1, 1]} : vector<1024x16xf32> to vector<1024x1xf32>
    %max3A_28 = arith.maximumf %slice3A, %slice3A_27 : vector<1024x1xf32>
    %sub3A = arith.subf %slice3A, %max3A_28 : vector<1024x1xf32>
    %exp3A = math.exp %sub3A : vector<1024x1xf32>
    %sub3A_29 = arith.subf %slice3A_27, %max3A_28 : vector<1024x1xf32>
    %exp3A_30 = math.exp %sub3A_29 : vector<1024x1xf32>
    %add3A_31 = arith.addf %exp3A, %exp3A_30 : vector<1024x1xf32>
    %log3A = math.log %add3A_31 : vector<1024x1xf32>
    %add3A_32 = arith.addf %max3A_28, %log3A : vector<1024x1xf32>
    %sub3A_33 = vector.broadcast %add3A_32 : vector<1024x1xf32> to vector<1024x16xf32>
    %sub3A_34 = arith.subf %add3A_26, %sub3A_33 : vector<1024x16xf32>
    %swap3A = arith.constant 0 : index
    %swap3A_35 = arith.constant 0 : index
    %swap3A_36 = vector.load %arg4[%swap3A, %swap3A_35] : memref<1024x16xf32, #tpu.memory_space<vmem>>, vector<1024x16xf32>
    tpu.vector_store %arg4[%swap3A, %swap3A_35], %sub3A_34 {strides = array<i32>} : memref<1024x16xf32, #tpu.memory_space<vmem>>, vector<1024x16xf32>,
    return
  }
  func.func @transform_0(%arg0: i32) -> (i32, i32, i32) {
    %c0_i32 = arith.constant 0 : i32
    %c0_i32_0 = arith.constant 0 : i32
    %c0_i32_1 = arith.constant 0 : i32
    return %c0_i32, %arg0, %c0_i32_0 : i32, i32, i32
  }
  func.func @transform_1(%arg0: i32) -> (i32, i32, i32) {
    %c0_i32 = arith.constant 0 : i32
    %c0_i32_0 = arith.constant 0 : i32
    %c0_i32_1 = arith.constant 0 : i32
    return %c0_i32, %arg0, %c0_i32_0 : i32, i32, i32
  }
  func.func @transform_2(%arg0: i32) -> (i32, i32) {
    %c0_i32 = arith.constant 0 : i32
    %c0_i32_0 = arith.constant 0 : i32
    return %arg0, %c0_i32 : i32, i32
  }
  func.func @transform_3(%arg0: i32) -> (i32, i32) {
    %c0_i32 = arith.constant 0 : i32
    %c0_i32_0 = arith.constant 0 : i32
    return %arg0, %c0_i32 : i32, i32
  }
}

</mosaic_0001>

<sc_bundles>
// kernel: kernel.11.cloned.1.call-start
scs
__scs_entry_jumppad:
0x0: {  	(pc) =	sbr.rel $0x88, $3  }
0x1: {  	(tag) =	ssettag $0x0;
	lr =	simm.s32 $0x1  }
0x2: {  	[smem:$0x3F99] =	sst lr;
	_ =	strace $0xD0000000  }
0x3: {  	_ = 	snop  }
0x4: {  	_ = 	snop  }
0x5: {  	_ = 	snop  }
0x6: {  	_ = 	snop  }
0x7: {  	_ = 	snop  }
__scs_overlays_trampoline_lowered:
0x8: {  	[smem:$0x3FA8] =	sst s0  }
0x9: {  	[smem:$0x3FA9] =	sst s1  }
0xa: {  	[smem:$0x3FAA] =	sst s2  }
0xb: {  	[smem:$0x3FAB] =	sst s3  }
0xc: {  	[smem:$0x3FAC] =	sst s4  }
0xd: {  	[smem:$0x3FAD] =	sst s5  }
0xe: {  	[smem:$0x3FAE] =	sst s6  }
0xf: {  	[smem:$0x3FAF] =	sst s7  }
0x10: {  	[smem:$0x3FB0] =	sst s8  }
0x11: {  	[smem:$0x3FB1] =	sst s9;
	s0 =	simm.s32 @!p0 $0x0  }
0x12: {  	s1 =	sld [smem:$0x3F97];
	s0 =	simm.s32 @p0 $0x1  }
0x13: {  	[smem:$0x3FB2] =	sst s0;
	s0 =	simm.s32 @!p1 $0x0  }
0x14: {  	s2 =	sld [smem:$0x3F96];
	s0 =	simm.s32 @p1 $0x1  }
0x15: {  	[smem:$0x3FB3] =	sst s0;
	s0 =	simm.s32 @!p2 $0x0  }
0x16: {  	s3 =	sld [smem:$0x3FDB];
	s0 =	simm.s32 @p2 $0x1  }
0x17: {  	s4 =	simm.s32 $0x1BF5;
	[smem:$0x3FB5] =	sst s0  }
0x18: {  	s0 =	sld [smem:$0x3F98];
	_ =	swait.ge [sflag:s4], $0x0  }
0x19: {  	s7 =	sld [smem:$0x3F99]  }
0x1a: {  	s8 =	sadd.s32 $0xFFFFE003, lr  }
0x1b: {  	s9 =	sadd.s32 $0xFFFFFEF7, lr;
	s5 =	simm.s32 $0xFFFFFFFF;
	p2 =	slt.u32 s8, $0xFFFFF086  }
0x1c: {  	p1 =	slt.u32 s9, $0xF7A;
	s5 =	simm.s32 @!p2 $0x0  }
0x1d: {  	s5 =	simm.s32 @p1 $0x1;
	p0 =	seq.s32 s7, s2  }
0x1e: {  	s7 =	smul.u32 @!p0 $0xF7A, s2;
	p2 =	seq.s32 @!p0 s5, $0x0  }
0x1f: {  	s9 =	smul.u32 $0xF7A, s1;
	s8 =	simm.s32 @!p0 $0x1BF5;
	p2 =	por !p2, p0  }
0x20: {  	[sflag:s8] =	ssyncset.s32 @!p0 $0xFFFFF086;
	s6 =	sadd.s32 @!p0 s3, s7;
	s7 =	simm.s32 @!p0 $0x108  }
0x21: {  	s3 =	sadd.s32 s3, s9;
	s6 =	sadd.s32 @!p0 $0x88, s6;
	s7 =	simm.s32 @p2 $0x1082  }
0x22: {  	[simem:s7], [sflag:s8] =	dma.local @!p0 [hbm:s6], $0xF7A  }
0x23: {  	s9 =	sor.u32 $0xD0000000, s2;
	s6 =	simm.s32 $0x108;
	_ =	swait.ge @!p0 [sflag:s8], $0x0  }
0x24: {  	s3 =	sadd.s32 $0x88, s3;
	s6 =	simm.s32 @!p1 $0x1082;
	[sflag:s4] =	ssyncset.s32 $0xFFFFF086  }
0x25: {  	[simem:s6], [sflag:s4] =	dma.local [hbm:s3], $0xF7A  }
0x26: {  	[smem:$0x3F99] =	sst s1;
	(tag) =	ssettag s2;
	_ =	strace s9  }
0x27: {  	s1 =	sld [smem:$0x3FA9]  }
0x28: {  	s2 =	sld [smem:$0x3FAA]  }
0x29: {  	s4 =	sld [smem:$0x3FAC]  }
0x2a: {  	p0 =	seq.s32 s5, $0x0;
	s5 =	sld [smem:$0x3FAD]  }
0x2b: {  	s6 =	sld [smem:$0x3FAE]  }
0x2c: {  	s7 =	sld [smem:$0x3FAF]  }
0x2d: {  	s3 =	simm.s32 $0x108;
	s8 =	sld [smem:$0x3FB0]  }
0x2e: {  	s3 =	simm.s32 @!p0 $0x1082;
	s9 =	sld [smem:$0x3FB1]  }
0x2f: {  	lr =	sadd.s32 s0, s3;
	s0 =	sld [smem:$0x3FA8]  }
0x30: {  	s3 =	sld [smem:$0x3FAB]  }
0x31: {  	[smem:$0x3FB4] =	sst s10  }
0x32: {  	s10 =	sld [smem:$0x3FB2];
	_ =	sdelay $0x3  }
0x33: {  	p0 =	seq.s32 s10, $0x1;
	s10 =	sld [smem:$0x3FB4];
	_ =	sdelay $0x3  }
0x34: {  	[smem:$0x3FB4] =	sst s10  }
0x35: {  	s10 =	sld [smem:$0x3FB3];
	_ =	sdelay $0x3  }
0x36: {  	p1 =	seq.s32 s10, $0x1;
	s10 =	sld [smem:$0x3FB4];
	_ =	sdelay $0x3  }
0x37: {  	[smem:$0x3FB4] =	sst s10  }
0x38: {  	s10 =	sld [smem:$0x3FB5]  }
0x39: {  	_ = 	snop;
	(pc) =	sbr.ind lr, $3  }
0x3a: {  	_ = 	snop  }
0x3b: {  	_ = 	snop  }
0x3c: {  	p2 =	seq.s32 s10, $0x1;
	s10 =	sld [smem:$0x3FB4]  }
0x3d: {  	_ =	shalt  }
0x3e: {  	_ =	shalt  }
0x3f: {  	_ =	shalt  }
0x40: {  	_ =	shalt  }
0x41: {  	_ =	shalt  }
0x42: {  	_ =	shalt  }
0x43: {  	_ =	shalt  }
0x44: {  	_ =	shalt  }
0x45: {  	_ =	shalt  }
0x46: {  	_ =	shalt  }
0x47: {  	_ =	shalt  }
0x48: {  	_ =	shalt  }
0x49: {  	_ =	shalt  }
0x4a: {  	_ =	shalt  }
0x4b: {  	_ =	shalt  }
0x4c: {  	_ =	shalt  }
0x4d: {  	_ =	shalt  }
0x4e: {  	_ =	shalt  }
0x4f: {  	_ =	shalt  }
0x50: {  	_ =	shalt  }
0x51: {  	_ =	shalt  }
0x52: {  	_ =	shalt  }
0x53: {  	_ =	shalt  }
0x54: {  	_ =	shalt  }
0x55: {  	_ =	shalt  }
0x56: {  	_ =	shalt  }
0x57: {  	_ =	shalt  }
0x58: {  	_ =	shalt  }
0x59: {  	_ =	shalt  }
0x5a: {  	_ =	shalt  }
0x5b: {  	_ =	shalt  }
0x5c: {  	_ =	shalt  }
0x5d: {  	_ =	shalt  }
0x5e: {  	_ =	shalt  }
0x5f: {  	_ =	shalt  }
0x60: {  	_ =	shalt  }
0x61: {  	_ =	shalt  }
0x62: {  	_ =	shalt  }
0x63: {  	_ =	shalt  }
0x64: {  	_ =	shalt  }
0x65: {  	_ =	shalt  }
0x66: {  	_ =	shalt  }
0x67: {  	_ =	shalt  }
0x68: {  	_ =	shalt  }
0x69: {  	_ =	shalt  }
0x6a: {  	_ =	shalt  }
0x6b: {  	_ =	shalt  }
0x6c: {  	_ =	shalt  }
0x6d: {  	_ =	shalt  }
0x6e: {  	_ =	shalt  }
0x6f: {  	_ =	shalt  }
0x70: {  	_ =	shalt  }
0x71: {  	_ =	shalt  }
0x72: {  	_ =	shalt  }
0x73: {  	_ =	shalt  }
0x74: {  	_ =	shalt  }
0x75: {  	_ =	shalt  }
0x76: {  	_ =	shalt  }
0x77: {  	_ =	shalt  }
0x78: {  	_ =	shalt  }
0x79: {  	_ =	shalt  }
0x7a: {  	_ =	shalt  }
0x7b: {  	_ =	shalt  }
0x7c: {  	_ =	shalt  }
0x7d: {  	_ =	shalt  }
0x7e: {  	_ =	shalt  }
0x7f: {  	_ =	shalt  }
0x80: {  	_ =	shalt  }
0x81: {  	_ =	shalt  }
0x82: {  	_ =	shalt  }
0x83: {  	_ =	shalt  }
0x84: {  	_ =	shalt  }
0x85: {  	_ =	shalt  }
0x86: {  	_ =	shalt  }
0x87: {  	_ =	shalt  }
.Lfunc_end0:
.L_simem_size_0:
called_computation.1_lowered:
.L_overlay_start_0:
0x88: {  	s2 =	sld [smem:$0x3FD9]  }
0x89: {  	s3 =	sld [smem:$0x3FFE];
	_ =	sdelay $0x1  }
0x8a: {  	s1 =	srdreg.scid  }
0x8b: {  	s0 =	sand.u32 $0x1, s1  }
0x8c: {  	s17 =	sshll.u32 s0, $0xA;
	s2 =	sadd.s32 s3, s2  }
0x8d: {  	s2 =	sadd.s32 s2, s17  }
0x8e: {  	[smem:$0x3FC0] =	sst s2  }
0x8f: {  	_ = 	snop  }
0x90: {  	(tm) =	ssettm $0x1  }
0x91: {  	s18 =	sld [smem:$0x3FFB];
	_ =	sdelay $0x3  }
0x92: {  	_ =	strace s18  }
0x93: {  	s2 =	sld [smem:$0x3FFC];
	_ =	sdelay $0x3  }
0x94: {  	_ =	strace s2  }
0x95: {  	s2 =	sld [smem:$0x3FFD];
	_ =	sdelay $0x3  }
0x96: {  	_ =	strace s2  }
0x97: {  	_ =	strace $0x8FFFFFFF  }
0x98: {  	s19 =	sld [smem:$0x3FDB];
	_ =	sdelay $0x1  }
0x99: {  	s20 =	simm.s32 $_scs_section_size  }
0x9a: {  	s4 =	simm.s32 $_size__tile_overlayer_lowered;
	s5 =	simm.s32 $_tile_overlayer_lowered  }
0x9b: {  	s6 =	simm.s32 $0x1BFF;
	s21 =	sshll.u32 s5, $0x1;
	s3 =	sadd.s32 s20, s19  }
0x9c: {  	s22 =	simm.s32 $0x0;
	s4 =	sshll.u32 s4, $0x1;
	s5 =	sadd.s32 s21, s3  }
0x9d: {  	[timem:s22], [sflag:s6] =	dma.local [hbm:s5], s4  }
0x9e: {  	_ =	swait.ge [sflag:s6], s4  }
0x9f: {  	s4 =	ssub.s32 $0x0, s4;
	[sflag:s6] =	ssyncset.done $0x0  }
0xa0: {  	[sflag:s6] =	ssyncadd.s32 s4;
	_ =	sdelay $0x1  }
0xa1: {  	s23 =	simm.s32 $0x1B8B  }
0xa2: {  	_ =	swait.ge [sflag:s23], $0x1  }
0xa3: {  	[sflag:s23] =	ssyncset.done $0x0  }
0xa4: {  	[sflag:s23] =	ssyncadd.s32 $0xFFFFFFFF  }
0xa5: {  	s4 =	sld [smem:$0x0]  }
0xa6: {  	s5 =	sand.u32 $0xFFFFFFFE, s1  }
0xa7: {  	p0 =	sne.s32 s1, s5  }
0xa8: {  	s5 =	sshll.u32 @p0 s5, $0xE  }
0xa9: {  	s5 =	sadd.s32 @p0 $0x11B8D, s5;
	s6 =	sshll.u32 @p0 s4, $0x11  }
0xaa: {  	s5 =	sor.u32 @p0 s6, s5  }
0xab: {  	[sflag:s5] =	ssyncadd.remote.s32 @p0 $0x1;
	_ =	sdelay $0x1  }
0xac: {  	s5 =	simm.s32 @p0 $0x1B8D  }
0xad: {  	_ =	swait.eq @p0 [sflag:s5], $0x1  }
0xae: {  	[sflag:s5] =	ssyncadd.s32 @p0 $0xFFFFFFFF  }
0xaf: {  	s6 =	sshll.u32 @!p0 s1, $0xE  }
0xb0: {  	s6 =	sor.u32 @!p0 $0x4000, s6;
	s5 =	simm.s32 @!p0 $0x1B8D  }
0xb1: {  	s4 =	sshll.u32 @!p0 s4, $0x11;
	s6 =	sadd.s32 @!p0 $0x11B8D, s6;
	_ =	swait.eq @!p0 [sflag:s5], $0x1  }
0xb2: {  	s4 =	sor.u32 @!p0 s4, s6;
	[sflag:s5] =	ssyncadd.s32 @!p0 $0xFFFFFFFF  }
0xb3: {  	s25 =	simm.s32 $0x1B8E;
	s24 =	sld [smem:$0x3FFE];
	[sflag:s4] =	ssyncadd.remote.s32 @!p0 $0x1  }
0xb4: {  	s26 =	simm.s32 $execute0_lowered;
	[smem:$0x3FD2] =	sst s25  }
0xb5: {  	s5 =	sshll.u32 s26, $0x1;
	_ =	strace $0x80000049;
	[dreg:$0x1] =	wrdreg $0xFFFFFFFF  }
0xb6: {  	s28 =	simm.s32 $_size_execute0_lowered;
	s3 =	sadd.s32 s3, s5;
	[dreg:$0x0] =	wrdreg $0x0  }
0xb7: {  	s5 =	sshll.u32 s28, $0x1;
	[dreg:$0x2] =	wrdreg s3  }
0xb8: {  	[dreg:$0x3] =	wrdreg s5  }
0xb9: {  	[dreg:$0x4] =	wrdreg $0xC0  }
0xba: {  	_ =	task [dreg:s22], $0x5FFFF  }
0xbb: {  	[dreg:$0x1] =	wrdreg $0xFFFFFFFF  }
0xbc: {  	[dreg:$0x0] =	wrdreg $0x60  }
0xbd: {  	[dreg:$0x2] =	wrdreg s24  }
0xbe: {  	[dreg:$0x3] =	wrdreg $0xA8000  }
0xbf: {  	[dreg:$0x4] =	wrdreg $0xA  }
0xc0: {  	_ =	task.clear_ibuf [dreg:s22], $0x5FFFF;
	_ =	strace $0x90000049  }
0xc1: {  	s29 =	simm.s32 $0xA;
	_ =	strace $0x8000004B  }
0xc2: {  	_ =	swait.ge [sflag:s29], $0x1  }
0xc3: {  	[sflag:s29] =	ssyncadd.s32 $0xFFFFFFFF  }
0xc4: {  	_ =	strace $0x9000004B  }
0xc5: {  	_ =	sfence  }
0xc6: {  	s30 =	sld [smem:$0x0];
	_ =	sdelay $0x2  }
0xc7: {  	s31 =	sshll.u32 s1, $0xD;
	s1 =	sshrl.u32 s1, $0x2  }
0xc8: {  	s4 =	sand.u32 $0x4000, s31;
	s1 =	sadd.s32 s1, s30  }
0xc9: {  	s0 =	sor.u32 s4, s0;
	s1 =	sshll.u32 s1, $0x11  }
0xca: {  	s0 =	sor.u32 s1, s0  }
0xcb: {  	s0 =	sadd.s32 $0x8F2B, s0  }
0xcc: {  	[sflag:s0] =	ssyncadd.remote.s32 $0x1  }
0xcd: {  	_ =	sfence.sel $0xFFFF  }
0xce: {  	[dreg:$0x0] =	wrdreg $0xFFFFFFFF;
	(pc) =	sbr.abs _section_cstart, $3  }
0xcf: {  	[dreg:$0x1] =	wrdreg $0xFFFFFFFF  }
0xd0: {  	_ =	task.clear_ibuf [dreg:s22], $0x2FFFF;
	_ =	strace $0x9FFFFFFF  }
0xd1: {  	(tm) =	ssettm $0x7FFFFFFF  }
tec
execute0_lowered:
.L_overlay_start_1:
0x0: {  	(tag) =	ssettag $0x1  }
0x1: {  	s6 =	rddreg [dreg:$0x0]  }
0x2: {  	s1 =	rddreg [dreg:$0x1]  }
0x3: {  	s0 =	rddreg [dreg:$0x2];
	s3 =	simm.s32 $0x0;
	s2 =	srdreg.scid  }
0x4: {  	s16 =	simm.s32 $0x80;
	s17 =	simm.s32 $0x2800;
	s18 =	simm.s32 $0x6800  }
0x5: {  	s19 =	simm.s32 $0x1;
	s20 =	simm.s32 $0x2;
	s21 =	simm.s32 $0x1380  }
0x6: {  	s22 =	simm.s32 $0x2700;
	s23 =	simm.s32 $0x2780;
	[smem:$0x7FF] =	sst s3  }
0x7: {  	s7 =	sand.u32 $0x1, s2;
	s2 =	stileid.u32;
	s4 =	sadd.s32 $0x20000, s6  }
0x8: {  	s10 =	sadd.s32 $0xC000, s6;
	s11 =	sadd.s32 $0x2000, s6;
	s8 =	smul.u32 $0x140000, s7  }
0x9: {  	s5 =	sadd.s32 $0x48000, s6;
	_ =	strace $0x8000004A;
	s9 =	smul.u32 $0x14000, s2  }
0xa: {  	s24 =	sshll.u32 s2, $0x1;
	s12 =	ssub.s32 $0x2, s7;
	s25 =	smul.u32 $0x50000, s2  }
0xb: {  	s28 =	sshll.u32 s2, $0x6;
	s7 =	sor.u32 s7, s24;
	s13 =	sshrl.u32 s12, $0x1  }
0xc: {  	s24 =	simm.s32 $0x0;
	s8 =	sadd.s32 s9, s8;
	s14 =	smul.u32 $0x2800, s7  }
0xd: {  	s12 =	ssub.s32 s12, s13;
	s26 =	sshrl.u32 s25, $0x2;
	s29 =	smul.u32 $0x500, s7  }
0xe: {  	s8 =	sshrl.u32 s8, $0x3;
	s31 =	sadd.s32 s26, s1;
	s12 =	smax.u32 s12, $0x1  }
0xf: {  	s15 =	sadd.s32 s8, s6;
	s30 =	sshrl.u32 s14, $0x3;
	s6 =	sor.u32 $0x1C03, s28  }
0x10: {  	s7 =	sadd.s32 s10, s29;
	s8 =	sadd.s32 s11, s29;
	s14 =	sadd.s32 $0x280, s30  }
0x11: {  	s13 =	sshrl.u32 s31, $0x3;
	s9 =	sadd.s32 s10, s14;
	s10 =	sadd.s32 s11, s14  }
0x12: {  	s11 =	sadd.s32 $0x4A800, s15;
	s14 =	simm.s32 $0x3;
	s15 =	simm.s32 $0x1400  }
.LBB2_1:
0x13: {  	[spmem:s13], [sflag:s6] =	dma.local [hbm:s5], $0x2800  }
0x14: {  	_ =	swait.ge [sflag:s14], $0x2800  }
0x15: {  	[sflag:s14] =	ssyncset.done $0x0  }
0x16: {  	[sflag:s14] =	ssyncadd.s32 $0xFFFFD800  }
0x17: {  	[bflag:$0x0] =	sbarrier.arrive $0xFFFF  }
0x18: {  	[tilespmem:s3], [sflag:$0x3] =	stream.linear.gather [hbm4b:s7+s3], $0x1400, $0x38;
	[tilespmem:$0x1E800] =	vst v63  }
0x19: {  	_ =	swait.ge [sflag:s14], $0x1400  }
0x1a: {  	[sflag:s14] =	ssyncset.done $0x0  }
0x1b: {  	[sflag:s14] =	ssyncadd.s32 $0xFFFFEC00  }
0x1c: {  	[tilespmem:s15], [sflag:$0x3] =	stream.linear.gather [hbm4b:s8+s3], $0x1400, $0x38;
	[tilespmem:$0x1E800] =	vst v63  }
0x1d: {  	_ =	swait.ge [sflag:s14], $0x1400  }
0x1e: {  	[sflag:s14] =	ssyncset.done $0x0  }
0x1f: {  	[sflag:s14] =	ssyncadd.s32 $0xFFFFEC00  }
0x20: {  	[tilespmem:s17], [sflag:$0x1] =	stream.indirect.gather [hbm4b:s4+s16], $0x80, s3, s16, $0xb8;
	[tilespmem:$0x1E800] =	vst v63  }
0x21: {  	s25 =	simm.s32 $0x80  }
0x22: {  	[tilespmem:s18], [sflag:$0x2] =	stream.indirect.gather [hbm4b:s4+s16], $0x80, s25, s16, $0xb8;
	[tilespmem:$0x1E800] =	vst v63  }
0x23: {  	_ =	swait.ge [sflag:s19], $0x4000  }
0x24: {  	[sflag:s19] =	ssyncset.done $0x0  }
0x25: {  	s29 =	simm.s32 $0x1400;
	[sflag:s19] =	ssyncadd.s32 $0xFFFFC000  }
0x26: {  	[spmem:s1] =	stream.indirect.scatter.add.f32 [tilespmem:s17], [sflag:$0x3], $0x80, s29, s16, $0xb8;
	[tilespmem:$0x1E800] =	vst v63  }
0x27: {  	_ =	swait.ge [sflag:s14], $0x4000  }
0x28: {  	[sflag:s14] =	ssyncset.done $0x0  }
0x29: {  	s30 =	simm.s32 $0x100;
	[sflag:s14] =	ssyncadd.s32 $0xFFFFC000  }
0x2a: {  	[tilespmem:s17], [sflag:$0x1] =	stream.indirect.gather [hbm4b:s4+s16], $0x80, s30, s16, $0xb8;
	[tilespmem:$0x1E800] =	vst v63  }
0x2b: {  	_ =	swait.ge [sflag:s20], $0x4000  }
0x2c: {  	[sflag:s20] =	ssyncset.done $0x0  }
0x2d: {  	s31 =	simm.s32 $0x1480;
	[sflag:s20] =	ssyncadd.s32 $0xFFFFC000  }
0x2e: {  	[spmem:s1] =	stream.indirect.scatter.add.f32 [tilespmem:s18], [sflag:$0x3], $0x80, s31, s16, $0xb8;
	[tilespmem:$0x1E800] =	vst v63  }
0x2f: {  	_ =	swait.ge [sflag:s14], $0x4000  }
0x30: {  	s26 =	simm.s32 $0x800;
	s25 =	simm.s32 $0x100;
	[sflag:s14] =	ssyncset.done $0x0  }
.LBB2_2:
0x31: {  	s28 =	sadd.s32 $0x80, s25  }
0x32: {  	[sflag:s14] =	ssyncadd.s32 $0xFFFFC000;
	s29 =	smov.u32 s26;
	s30 =	sadd.s32 $0x400, s26  }
0x33: {  	[tilespmem:s18], [sflag:$0x2] =	stream.indirect.gather [hbm4b:s4+s16], $0x80, s28, s16, $0xb8;
	[tilespmem:$0x1E800] =	vst v63  }
0x34: {  	p0 =	sne.s32 s26, $0x4800;
	_ =	swait.ge [sflag:s19], $0x4000  }
0x35: {  	[sflag:s19] =	ssyncset.done $0x0  }
0x36: {  	s26 =	sadd.s32 $0x1400, s25;
	[sflag:s19] =	ssyncadd.s32 $0xFFFFC000  }
0x37: {  	[spmem:s1] =	stream.indirect.scatter.add.f32 [tilespmem:s17], [sflag:$0x3], $0x80, s26, s16, $0xb8;
	[tilespmem:$0x1E800] =	vst v63  }
0x38: {  	_ =	swait.ge [sflag:s14], $0x4000  }
0x39: {  	[sflag:s14] =	ssyncset.done $0x0  }
0x3a: {  	s26 =	sadd.s32 $0x100, s25;
	[sflag:s14] =	ssyncadd.s32 $0xFFFFC000  }
0x3b: {  	[tilespmem:s17], [sflag:$0x1] =	stream.indirect.gather [hbm4b:s4+s16], $0x80, s26, s16, $0xb8;
	[tilespmem:$0x1E800] =	vst v63  }
0x3c: {  	_ =	swait.ge [sflag:s20], $0x4000  }
.Ltmp0:
0x3d: {  	[sflag:s20] =	ssyncset.done $0x0;
	(pc) =	sbr.rel @p0 .LBB2_2-.Ltmp0, $4  }
0x3e: {  	s25 =	sadd.s32 $0x1480, s25;
	[sflag:s20] =	ssyncadd.s32 $0xFFFFC000  }
0x3f: {  	[spmem:s1] =	stream.indirect.scatter.add.f32 [tilespmem:s18], [sflag:$0x3], $0x80, s25, s16, $0xb8;
	[tilespmem:$0x1E800] =	vst v63  }
0x40: {  	_ =	swait.ge [sflag:s14], $0x4000  }
0x41: {  	s26 =	smov.u32 s30;
	s25 =	sshra.s32 s29, $0x2;
	[sflag:s14] =	ssyncset.done $0x0  }
0x42: {  	s26 =	sadd.s32 $0x80, s25;
	[sflag:s14] =	ssyncadd.s32 $0xFFFFC000  }
0x43: {  	[tilespmem:s18], [sflag:$0x2] =	stream.indirect.gather [hbm4b:s4+s16], $0x80, s26, s16, $0xb8;
	[tilespmem:$0x1E800] =	vst v63  }
0x44: {  	_ =	swait.ge [sflag:s19], $0x4000  }
0x45: {  	[sflag:s19] =	ssyncset.done $0x0  }
0x46: {  	s29 =	sadd.s32 $0x1400, s25;
	[sflag:s19] =	ssyncadd.s32 $0xFFFFC000  }
0x47: {  	[spmem:s1] =	stream.indirect.scatter.add.f32 [tilespmem:s17], [sflag:$0x3], $0x80, s29, s16, $0xb8;
	[tilespmem:$0x1E800] =	vst v63  }
0x48: {  	_ =	swait.ge [sflag:s14], $0x4000  }
0x49: {  	[sflag:s14] =	ssyncset.done $0x0  }
0x4a: {  	s30 =	sadd.s32 $0x100, s25;
	[sflag:s14] =	ssyncadd.s32 $0xFFFFC000  }
0x4b: {  	[tilespmem:s17], [sflag:$0x1] =	stream.indirect.gather [hbm4b:s4+s16], $0x80, s30, s16, $0xb8;
	[tilespmem:$0x1E800] =	vst v63  }
0x4c: {  	_ =	swait.ge [sflag:s20], $0x4000  }
0x4d: {  	[sflag:s20] =	ssyncset.done $0x0  }
0x4e: {  	s31 =	sadd.s32 $0x1480, s25;
	[sflag:s20] =	ssyncadd.s32 $0xFFFFC000  }
0x4f: {  	[spmem:s1] =	stream.indirect.scatter.add.f32 [tilespmem:s18], [sflag:$0x3], $0x80, s31, s16, $0xb8;
	[tilespmem:$0x1E800] =	vst v63  }
0x50: {  	_ =	swait.ge [sflag:s14], $0x4000  }
0x51: {  	[sflag:s14] =	ssyncset.done $0x0  }
0x52: {  	[sflag:s14] =	ssyncadd.s32 $0xFFFFC000  }
0x53: {  	[tilespmem:s18], [sflag:$0x2] =	stream.indirect.gather [hbm4b:s4+s16], $0x80, s21, s16, $0xb8;
	[tilespmem:$0x1E800] =	vst v63  }
0x54: {  	_ =	swait.ge [sflag:s19], $0x4000  }
0x55: {  	[sflag:s19] =	ssyncset.done $0x0  }
0x56: {  	[sflag:s19] =	ssyncadd.s32 $0xFFFFC000  }
0x57: {  	[spmem:s1] =	stream.indirect.scatter.add.f32 [tilespmem:s17], [sflag:$0x3], $0x80, s22, s16, $0xb8;
	[tilespmem:$0x1E800] =	vst v63  }
0x58: {  	_ =	swait.ge [sflag:s14], $0x4000  }
0x59: {  	[sflag:s14] =	ssyncset.done $0x0  }
0x5a: {  	[sflag:s14] =	ssyncadd.s32 $0xFFFFC000  }
0x5b: {  	_ =	swait.ge [sflag:s20], $0x4000  }
0x5c: {  	[sflag:s20] =	ssyncset.done $0x0  }
0x5d: {  	[sflag:s20] =	ssyncadd.s32 $0xFFFFC000  }
0x5e: {  	[spmem:s1] =	stream.indirect.scatter.add.f32 [tilespmem:s18], [sflag:$0x3], $0x80, s23, s16, $0xb8;
	[tilespmem:$0x1E800] =	vst v63  }
0x5f: {  	_ =	swait.ge [sflag:s14], $0x4000  }
0x60: {  	[sflag:s14] =	ssyncset.done $0x0  }
0x61: {  	s26 =	simm.s32 $0x0;
	[sflag:s14] =	ssyncadd.s32 $0xFFFFC000  }
0x62: {  	[tilespmem:s26], [sflag:$0x3] =	stream.linear.gather [hbm4b:s9+s26], $0x1400, $0x38;
	[tilespmem:$0x1E800] =	vst v63  }
0x63: {  	_ =	swait.ge [sflag:s14], $0x1400  }
0x64: {  	[sflag:s14] =	ssyncset.done $0x0  }
0x65: {  	[sflag:s14] =	ssyncadd.s32 $0xFFFFEC00  }
0x66: {  	[tilespmem:s15], [sflag:$0x3] =	stream.linear.gather [hbm4b:s10+s26], $0x1400, $0x38;
	[tilespmem:$0x1E800] =	vst v63  }
0x67: {  	_ =	swait.ge [sflag:s14], $0x1400  }
0x68: {  	[sflag:s14] =	ssyncset.done $0x0  }
0x69: {  	[sflag:s14] =	ssyncadd.s32 $0xFFFFEC00  }
0x6a: {  	[tilespmem:s17], [sflag:$0x1] =	stream.indirect.gather [hbm4b:s4+s16], $0x80, s26, s16, $0xb8;
	[tilespmem:$0x1E800] =	vst v63  }
0x6b: {  	s28 =	simm.s32 $0x80  }
0x6c: {  	[tilespmem:s18], [sflag:$0x2] =	stream.indirect.gather [hbm4b:s4+s16], $0x80, s28, s16, $0xb8;
	[tilespmem:$0x1E800] =	vst v63  }
0x6d: {  	_ =	swait.ge [sflag:s19], $0x4000  }
0x6e: {  	[sflag:s19] =	ssyncset.done $0x0  }
0x6f: {  	s29 =	simm.s32 $0x1400;
	[sflag:s19] =	ssyncadd.s32 $0xFFFFC000  }
0x70: {  	[spmem:s1] =	stream.indirect.scatter.add.f32 [tilespmem:s17], [sflag:$0x3], $0x80, s29, s16, $0xb8;
	[tilespmem:$0x1E800] =	vst v63  }
0x71: {  	_ =	swait.ge [sflag:s14], $0x4000  }
0x72: {  	[sflag:s14] =	ssyncset.done $0x0  }
0x73: {  	s30 =	simm.s32 $0x100;
	[sflag:s14] =	ssyncadd.s32 $0xFFFFC000  }
0x74: {  	[tilespmem:s17], [sflag:$0x1] =	stream.indirect.gather [hbm4b:s4+s16], $0x80, s30, s16, $0xb8;
	[tilespmem:$0x1E800] =	vst v63  }
0x75: {  	_ =	swait.ge [sflag:s20], $0x4000  }
0x76: {  	[sflag:s20] =	ssyncset.done $0x0  }
0x77: {  	s31 =	simm.s32 $0x1480;
	[sflag:s20] =	ssyncadd.s32 $0xFFFFC000  }
0x78: {  	[spmem:s1] =	stream.indirect.scatter.add.f32 [tilespmem:s18], [sflag:$0x3], $0x80, s31, s16, $0xb8;
	[tilespmem:$0x1E800] =	vst v63  }
0x79: {  	_ =	swait.ge [sflag:s14], $0x4000  }
0x7a: {  	s25 =	simm.s32 $0x100;
	s26 =	simm.s32 $0x800;
	[sflag:s14] =	ssyncset.done $0x0  }
.LBB2_4:
0x7b: {  	s28 =	sadd.s32 $0x80, s25  }
0x7c: {  	[sflag:s14] =	ssyncadd.s32 $0xFFFFC000;
	s29 =	smov.u32 s26;
	s30 =	sadd.s32 $0x400, s26  }
0x7d: {  	[tilespmem:s18], [sflag:$0x2] =	stream.indirect.gather [hbm4b:s4+s16], $0x80, s28, s16, $0xb8;
	[tilespmem:$0x1E800] =	vst v63  }
0x7e: {  	p0 =	sne.s32 s26, $0x4800;
	_ =	swait.ge [sflag:s19], $0x4000  }
0x7f: {  	[sflag:s19] =	ssyncset.done $0x0  }
0x80: {  	s26 =	sadd.s32 $0x1400, s25;
	[sflag:s19] =	ssyncadd.s32 $0xFFFFC000  }
0x81: {  	[spmem:s1] =	stream.indirect.scatter.add.f32 [tilespmem:s17], [sflag:$0x3], $0x80, s26, s16, $0xb8;
	[tilespmem:$0x1E800] =	vst v63  }
0x82: {  	_ =	swait.ge [sflag:s14], $0x4000  }
0x83: {  	[sflag:s14] =	ssyncset.done $0x0  }
0x84: {  	s26 =	sadd.s32 $0x100, s25;
	[sflag:s14] =	ssyncadd.s32 $0xFFFFC000  }
0x85: {  	[tilespmem:s17], [sflag:$0x1] =	stream.indirect.gather [hbm4b:s4+s16], $0x80, s26, s16, $0xb8;
	[tilespmem:$0x1E800] =	vst v63  }
0x86: {  	_ =	swait.ge [sflag:s20], $0x4000  }
.Ltmp1:
0x87: {  	[sflag:s20] =	ssyncset.done $0x0;
	(pc) =	sbr.rel @p0 .LBB2_4-.Ltmp1, $4  }
0x88: {  	s25 =	sadd.s32 $0x1480, s25;
	[sflag:s20] =	ssyncadd.s32 $0xFFFFC000  }
0x89: {  	[spmem:s1] =	stream.indirect.scatter.add.f32 [tilespmem:s18], [sflag:$0x3], $0x80, s25, s16, $0xb8;
	[tilespmem:$0x1E800] =	vst v63  }
0x8a: {  	_ =	swait.ge [sflag:s14], $0x4000  }
0x8b: {  	s26 =	smov.u32 s30;
	s25 =	sshra.s32 s29, $0x2;
	[sflag:s14] =	ssyncset.done $0x0  }
0x8c: {  	s26 =	sadd.s32 $0x80, s25;
	[sflag:s14] =	ssyncadd.s32 $0xFFFFC000  }
0x8d: {  	[tilespmem:s18], [sflag:$0x2] =	stream.indirect.gather [hbm4b:s4+s16], $0x80, s26, s16, $0xb8;
	[tilespmem:$0x1E800] =	vst v63  }
0x8e: {  	_ =	swait.ge [sflag:s19], $0x4000  }
0x8f: {  	[sflag:s19] =	ssyncset.done $0x0  }
0x90: {  	s29 =	sadd.s32 $0x1400, s25;
	[sflag:s19] =	ssyncadd.s32 $0xFFFFC000  }
0x91: {  	[spmem:s1] =	stream.indirect.scatter.add.f32 [tilespmem:s17], [sflag:$0x3], $0x80, s29, s16, $0xb8;
	[tilespmem:$0x1E800] =	vst v63  }
0x92: {  	_ =	swait.ge [sflag:s14], $0x4000  }
0x93: {  	[sflag:s14] =	ssyncset.done $0x0  }
0x94: {  	s30 =	sadd.s32 $0x100, s25;
	[sflag:s14] =	ssyncadd.s32 $0xFFFFC000  }
0x95: {  	[tilespmem:s17], [sflag:$0x1] =	stream.indirect.gather [hbm4b:s4+s16], $0x80, s30, s16, $0xb8;
	[tilespmem:$0x1E800] =	vst v63  }
0x96: {  	_ =	swait.ge [sflag:s20], $0x4000  }
0x97: {  	[sflag:s20] =	ssyncset.done $0x0  }
0x98: {  	s31 =	sadd.s32 $0x1480, s25;
	[sflag:s20] =	ssyncadd.s32 $0xFFFFC000  }
0x99: {  	[spmem:s1] =	stream.indirect.scatter.add.f32 [tilespmem:s18], [sflag:$0x3], $0x80, s31, s16, $0xb8;
	[tilespmem:$0x1E800] =	vst v63  }
0x9a: {  	_ =	swait.ge [sflag:s14], $0x4000  }
0x9b: {  	[sflag:s14] =	ssyncset.done $0x0  }
0x9c: {  	[sflag:s14] =	ssyncadd.s32 $0xFFFFC000  }
0x9d: {  	[tilespmem:s18], [sflag:$0x2] =	stream.indirect.gather [hbm4b:s4+s16], $0x80, s21, s16, $0xb8;
	[tilespmem:$0x1E800] =	vst v63  }
0x9e: {  	_ =	swait.ge [sflag:s19], $0x4000  }
0x9f: {  	[sflag:s19] =	ssyncset.done $0x0  }
0xa0: {  	[sflag:s19] =	ssyncadd.s32 $0xFFFFC000  }
0xa1: {  	[spmem:s1] =	stream.indirect.scatter.add.f32 [tilespmem:s17], [sflag:$0x3], $0x80, s22, s16, $0xb8;
	[tilespmem:$0x1E800] =	vst v63  }
0xa2: {  	_ =	swait.ge [sflag:s14], $0x4000  }
0xa3: {  	[sflag:s14] =	ssyncset.done $0x0  }
0xa4: {  	[sflag:s14] =	ssyncadd.s32 $0xFFFFC000  }
0xa5: {  	_ =	swait.ge [sflag:s20], $0x4000  }
0xa6: {  	[sflag:s20] =	ssyncset.done $0x0  }
0xa7: {  	[sflag:s20] =	ssyncadd.s32 $0xFFFFC000  }
0xa8: {  	[spmem:s1] =	stream.indirect.scatter.add.f32 [tilespmem:s18], [sflag:$0x3], $0x80, s23, s16, $0xb8;
	[tilespmem:$0x1E800] =	vst v63  }
0xa9: {  	_ =	swait.ge [sflag:s14], $0x4000  }
0xaa: {  	s24 =	sadd.s32 $0x1, s24;
	[sflag:s14] =	ssyncset.done $0x0  }
0xab: {  	p0 =	sne.s32 s24, s12;
	[sflag:s14] =	ssyncadd.s32 $0xFFFFC000  }
.Ltmp2:
0xac: {  	[bflag:$0x0] =	sbarrier.arrive $0xFFFF;
	(pc) =	sbr.rel @p0 .LBB2_1-.Ltmp2, $4  }
0xad: {  	[hbm:s11], [sflag:s6] =	dma.local [spmem:s13], $0x2800  }
0xae: {  	_ =	swait.ge [sflag:s14], $0x2800  }
0xaf: {  	[sflag:s14] =	ssyncset.done $0x0  }
0xb0: {  	[sflag:s14] =	ssyncadd.s32 $0xFFFFD800  }
0xb1: {  	_ =	sfence.sel $0x180000  }
0xb2: {  	[bflag:$0x0] =	sbarrier.arrive $0xFFFF  }
0xb3: {  	p0 =	sne.s32 s2, $0x0;
	_ =	strace $0x9000004A  }
0xb4: {  	s0 =	sadd.s32 @!p0 $0x100000, s0;
	[bflag:$0x2] =	sbarrier.arrive $0xFFFF  }
0xb5: {  	[sflag:s0] =	ssyncadd.tile.s32 @!p0 $0x1;
	_ =	shalt  }
.Lfunc_end2:
_tile_overlayer_lowered:
.L_overlay_start_2:
0xb6: {  	(tag) =	ssettag $0x2  }
0xb7: {  	s0 =	rddreg [dreg:$0x0];
	s2 =	stileid.u32  }
0xb8: {  	s1 =	rddreg [dreg:$0x1];
	p0 =	sne.s32 s2, $0x0  }
0xb9: {  	s3 =	rddreg [dreg:$0x2];
	[bflag:$0x3] =	sbarrier.arrive $0xFFFF;
	s2 =	simm.s32 @!p0 $0x1C03  }
0xba: {  	[timem:s3], [sflag:s2] =	dma.local @!p0 [hbm:s0], s1  }
0xbb: {  	s0 =	simm.s32 @!p0 $0x3  }
0xbc: {  	_ =	swait.ge @!p0 [sflag:s0], s1  }
0xbd: {  	s1 =	ssub.s32 @!p0 $0x0, s1;
	[sflag:s0] =	ssyncset.done @!p0 $0x0  }
0xbe: {  	[sflag:s0] =	ssyncadd.s32 @!p0 s1  }
0xbf: {  	[bflag:$0x3] =	sbarrier.arrive $0xFFFF  }
0xc0: {  	_ =	shalt  }

// kernel: kernel.14.cloned.1.call-start
scs
__scs_entry_jumppad:
0x0: {  	(pc) =	sbr.rel $0x88, $3  }
0x1: {  	(tag) =	ssettag $0x0;
	lr =	simm.s32 $0x1  }
0x2: {  	[smem:$0x3F99] =	sst lr;
	_ =	strace $0xD0000000  }
0x3: {  	_ = 	snop  }
0x4: {  	_ = 	snop  }
0x5: {  	_ = 	snop  }
0x6: {  	_ = 	snop  }
0x7: {  	_ = 	snop  }
__scs_overlays_trampoline_lowered:
0x8: {  	[smem:$0x3FA8] =	sst s0  }
0x9: {  	[smem:$0x3FA9] =	sst s1  }
0xa: {  	[smem:$0x3FAA] =	sst s2  }
0xb: {  	[smem:$0x3FAB] =	sst s3  }
0xc: {  	[smem:$0x3FAC] =	sst s4  }
0xd: {  	[smem:$0x3FAD] =	sst s5  }
0xe: {  	[smem:$0x3FAE] =	sst s6  }
0xf: {  	[smem:$0x3FAF] =	sst s7  }
0x10: {  	[smem:$0x3FB0] =	sst s8  }
0x11: {  	[smem:$0x3FB1] =	sst s9;
	s0 =	simm.s32 @!p0 $0x0  }
0x12: {  	s1 =	sld [smem:$0x3F97];
	s0 =	simm.s32 @p0 $0x1  }
0x13: {  	[smem:$0x3FB2] =	sst s0;
	s0 =	simm.s32 @!p1 $0x0  }
0x14: {  	s2 =	sld [smem:$0x3F96];
	s0 =	simm.s32 @p1 $0x1  }
0x15: {  	[smem:$0x3FB3] =	sst s0;
	s0 =	simm.s32 @!p2 $0x0  }
0x16: {  	s3 =	sld [smem:$0x3FDB];
	s0 =	simm.s32 @p2 $0x1  }
0x17: {  	s4 =	simm.s32 $0x1BF5;
	[smem:$0x3FB5] =	sst s0  }
0x18: {  	s0 =	sld [smem:$0x3F98];
	_ =	swait.ge [sflag:s4], $0x0  }
0x19: {  	s7 =	sld [smem:$0x3F99]  }
0x1a: {  	s8 =	sadd.s32 $0xFFFFE003, lr  }
0x1b: {  	s9 =	sadd.s32 $0xFFFFFEF7, lr;
	s5 =	simm.s32 $0xFFFFFFFF;
	p2 =	slt.u32 s8, $0xFFFFF086  }
0x1c: {  	p1 =	slt.u32 s9, $0xF7A;
	s5 =	simm.s32 @!p2 $0x0  }
0x1d: {  	s5 =	simm.s32 @p1 $0x1;
	p0 =	seq.s32 s7, s2  }
0x1e: {  	s7 =	smul.u32 @!p0 $0xF7A, s2;
	p2 =	seq.s32 @!p0 s5, $0x0  }
0x1f: {  	s9 =	smul.u32 $0xF7A, s1;
	s8 =	simm.s32 @!p0 $0x1BF5;
	p2 =	por !p2, p0  }
0x20: {  	[sflag:s8] =	ssyncset.s32 @!p0 $0xFFFFF086;
	s6 =	sadd.s32 @!p0 s3, s7;
	s7 =	simm.s32 @!p0 $0x108  }
0x21: {  	s3 =	sadd.s32 s3, s9;
	s6 =	sadd.s32 @!p0 $0x88, s6;
	s7 =	simm.s32 @p2 $0x1082  }
0x22: {  	[simem:s7], [sflag:s8] =	dma.local @!p0 [hbm:s6], $0xF7A  }
0x23: {  	s9 =	sor.u32 $0xD0000000, s2;
	s6 =	simm.s32 $0x108;
	_ =	swait.ge @!p0 [sflag:s8], $0x0  }
0x24: {  	s3 =	sadd.s32 $0x88, s3;
	s6 =	simm.s32 @!p1 $0x1082;
	[sflag:s4] =	ssyncset.s32 $0xFFFFF086  }
0x25: {  	[simem:s6], [sflag:s4] =	dma.local [hbm:s3], $0xF7A  }
0x26: {  	[smem:$0x3F99] =	sst s1;
	(tag) =	ssettag s2;
	_ =	strace s9  }
0x27: {  	s1 =	sld [smem:$0x3FA9]  }
0x28: {  	s2 =	sld [smem:$0x3FAA]  }
0x29: {  	s4 =	sld [smem:$0x3FAC]  }
0x2a: {  	p0 =	seq.s32 s5, $0x0;
	s5 =	sld [smem:$0x3FAD]  }
0x2b: {  	s6 =	sld [smem:$0x3FAE]  }
0x2c: {  	s7 =	sld [smem:$0x3FAF]  }
0x2d: {  	s3 =	simm.s32 $0x108;
	s8 =	sld [smem:$0x3FB0]  }
0x2e: {  	s3 =	simm.s32 @!p0 $0x1082;
	s9 =	sld [smem:$0x3FB1]  }
0x2f: {  	lr =	sadd.s32 s0, s3;
	s0 =	sld [smem:$0x3FA8]  }
0x30: {  	s3 =	sld [smem:$0x3FAB]  }
0x31: {  	[smem:$0x3FB4] =	sst s10  }
0x32: {  	s10 =	sld [smem:$0x3FB2];
	_ =	sdelay $0x3  }
0x33: {  	p0 =	seq.s32 s10, $0x1;
	s10 =	sld [smem:$0x3FB4];
	_ =	sdelay $0x3  }
0x34: {  	[smem:$0x3FB4] =	sst s10  }
0x35: {  	s10 =	sld [smem:$0x3FB3];
	_ =	sdelay $0x3  }
0x36: {  	p1 =	seq.s32 s10, $0x1;
	s10 =	sld [smem:$0x3FB4];
	_ =	sdelay $0x3  }
0x37: {  	[smem:$0x3FB4] =	sst s10  }
0x38: {  	s10 =	sld [smem:$0x3FB5]  }
0x39: {  	_ = 	snop;
	(pc) =	sbr.ind lr, $3  }
0x3a: {  	_ = 	snop  }
0x3b: {  	_ = 	snop  }
0x3c: {  	p2 =	seq.s32 s10, $0x1;
	s10 =	sld [smem:$0x3FB4]  }
0x3d: {  	_ =	shalt  }
0x3e: {  	_ =	shalt  }
0x3f: {  	_ =	shalt  }
0x40: {  	_ =	shalt  }
0x41: {  	_ =	shalt  }
0x42: {  	_ =	shalt  }
0x43: {  	_ =	shalt  }
0x44: {  	_ =	shalt  }
0x45: {  	_ =	shalt  }
0x46: {  	_ =	shalt  }
0x47: {  	_ =	shalt  }
0x48: {  	_ =	shalt  }
0x49: {  	_ =	shalt  }
0x4a: {  	_ =	shalt  }
0x4b: {  	_ =	shalt  }
0x4c: {  	_ =	shalt  }
0x4d: {  	_ =	shalt  }
0x4e: {  	_ =	shalt  }
0x4f: {  	_ =	shalt  }
0x50: {  	_ =	shalt  }
0x51: {  	_ =	shalt  }
0x52: {  	_ =	shalt  }
0x53: {  	_ =	shalt  }
0x54: {  	_ =	shalt  }
0x55: {  	_ =	shalt  }
0x56: {  	_ =	shalt  }
0x57: {  	_ =	shalt  }
0x58: {  	_ =	shalt  }
0x59: {  	_ =	shalt  }
0x5a: {  	_ =	shalt  }
0x5b: {  	_ =	shalt  }
0x5c: {  	_ =	shalt  }
0x5d: {  	_ =	shalt  }
0x5e: {  	_ =	shalt  }
0x5f: {  	_ =	shalt  }
0x60: {  	_ =	shalt  }
0x61: {  	_ =	shalt  }
0x62: {  	_ =	shalt  }
0x63: {  	_ =	shalt  }
0x64: {  	_ =	shalt  }
0x65: {  	_ =	shalt  }
0x66: {  	_ =	shalt  }
0x67: {  	_ =	shalt  }
0x68: {  	_ =	shalt  }
0x69: {  	_ =	shalt  }
0x6a: {  	_ =	shalt  }
0x6b: {  	_ =	shalt  }
0x6c: {  	_ =	shalt  }
0x6d: {  	_ =	shalt  }
0x6e: {  	_ =	shalt  }
0x6f: {  	_ =	shalt  }
0x70: {  	_ =	shalt  }
0x71: {  	_ =	shalt  }
0x72: {  	_ =	shalt  }
0x73: {  	_ =	shalt  }
0x74: {  	_ =	shalt  }
0x75: {  	_ =	shalt  }
0x76: {  	_ =	shalt  }
0x77: {  	_ =	shalt  }
0x78: {  	_ =	shalt  }
0x79: {  	_ =	shalt  }
0x7a: {  	_ =	shalt  }
0x7b: {  	_ =	shalt  }
0x7c: {  	_ =	shalt  }
0x7d: {  	_ =	shalt  }
0x7e: {  	_ =	shalt  }
0x7f: {  	_ =	shalt  }
0x80: {  	_ =	shalt  }
0x81: {  	_ =	shalt  }
0x82: {  	_ =	shalt  }
0x83: {  	_ =	shalt  }
0x84: {  	_ =	shalt  }
0x85: {  	_ =	shalt  }
0x86: {  	_ =	shalt  }
0x87: {  	_ =	shalt  }
.Lfunc_end0:
.L_simem_size_0:
called_computation.2_lowered:
.L_overlay_start_0:
0x88: {  	s2 =	sld [smem:$0x3FD9]  }
0x89: {  	s3 =	sld [smem:$0x3FFE];
	_ =	sdelay $0x1  }
0x8a: {  	s1 =	srdreg.scid  }
0x8b: {  	s0 =	sand.u32 $0x1, s1  }
0x8c: {  	s16 =	sshll.u32 s0, $0xA;
	s2 =	sadd.s32 s3, s2  }
0x8d: {  	s2 =	sadd.s32 s2, s16  }
0x8e: {  	[smem:$0x3FC0] =	sst s2  }
0x8f: {  	_ = 	snop  }
0x90: {  	(tm) =	ssettm $0x1  }
0x91: {  	s17 =	sld [smem:$0x3FFB];
	_ =	sdelay $0x3  }
0x92: {  	_ =	strace s17  }
0x93: {  	s2 =	sld [smem:$0x3FFC];
	_ =	sdelay $0x3  }
0x94: {  	_ =	strace s2  }
0x95: {  	s2 =	sld [smem:$0x3FFD];
	_ =	sdelay $0x3  }
0x96: {  	_ =	strace s2  }
0x97: {  	_ =	strace $0x8FFFFFFF  }
0x98: {  	s18 =	sld [smem:$0x3FDB];
	_ =	sdelay $0x1  }
0x99: {  	s19 =	simm.s32 $_scs_section_size  }
0x9a: {  	s4 =	simm.s32 $_size__tile_overlayer_lowered;
	s5 =	simm.s32 $_tile_overlayer_lowered  }
0x9b: {  	s22 =	simm.s32 $0x1BFF;
	s21 =	sshll.u32 s5, $0x1;
	s2 =	sadd.s32 s19, s18  }
0x9c: {  	s6 =	simm.s32 $0x0;
	s20 =	sshll.u32 s4, $0x1;
	s4 =	sadd.s32 s21, s2  }
0x9d: {  	[timem:s6], [sflag:s22] =	dma.local [hbm:s4], s20  }
0x9e: {  	_ =	swait.ge [sflag:s22], s20  }
0x9f: {  	s3 =	ssub.s32 $0x0, s20;
	[sflag:s22] =	ssyncset.done $0x0  }
0xa0: {  	[sflag:s22] =	ssyncadd.s32 s3;
	_ =	sdelay $0x1  }
0xa1: {  	s23 =	simm.s32 $0x1B8B  }
0xa2: {  	_ =	swait.ge [sflag:s23], $0x1  }
0xa3: {  	[sflag:s23] =	ssyncset.done $0x0  }
0xa4: {  	s25 =	simm.s32 $0x1B8E;
	s24 =	sld [smem:$0x3FFE];
	[sflag:s23] =	ssyncadd.s32 $0xFFFFFFFF  }
0xa5: {  	s26 =	simm.s32 $execute0_lowered;
	[smem:$0x3FD2] =	sst s25  }
0xa6: {  	s4 =	sshll.u32 s26, $0x1;
	_ =	strace $0x8000004C;
	[dreg:$0x1] =	wrdreg $0xFFFFFFFF  }
0xa7: {  	s28 =	simm.s32 $_size_execute0_lowered;
	s2 =	sadd.s32 s2, s4;
	[dreg:$0x0] =	wrdreg $0x0  }
0xa8: {  	s4 =	sshll.u32 s28, $0x1;
	[dreg:$0x2] =	wrdreg s2  }
0xa9: {  	[dreg:$0x3] =	wrdreg s4  }
0xaa: {  	[dreg:$0x4] =	wrdreg $0xC0  }
0xab: {  	_ =	task [dreg:s6], $0x5FFFF  }
0xac: {  	[dreg:$0x1] =	wrdreg $0xFFFFFFFF  }
0xad: {  	[dreg:$0x0] =	wrdreg $0x60  }
0xae: {  	[dreg:$0x2] =	wrdreg s24  }
0xaf: {  	[dreg:$0x3] =	wrdreg $0x90000  }
0xb0: {  	[dreg:$0x4] =	wrdreg $0x9  }
0xb1: {  	_ =	task.clear_ibuf [dreg:s6], $0x5FFFF;
	_ =	strace $0x9000004C  }
0xb2: {  	s29 =	simm.s32 $0x9;
	_ =	strace $0x8000004E  }
0xb3: {  	_ =	swait.ge [sflag:s29], $0x1  }
0xb4: {  	[sflag:s29] =	ssyncadd.s32 $0xFFFFFFFF  }
0xb5: {  	_ =	strace $0x9000004E  }
0xb6: {  	_ =	sfence  }
0xb7: {  	s30 =	sld [smem:$0x0];
	_ =	sdelay $0x2  }
0xb8: {  	s31 =	sshll.u32 s1, $0xD;
	s1 =	sshrl.u32 s1, $0x2  }
0xb9: {  	s3 =	sand.u32 $0x4000, s31;
	s1 =	sadd.s32 s1, s30  }
0xba: {  	s0 =	sor.u32 s3, s0;
	s1 =	sshll.u32 s1, $0x11  }
0xbb: {  	s0 =	sor.u32 s1, s0  }
0xbc: {  	s0 =	sadd.s32 $0x8F2B, s0  }
0xbd: {  	[sflag:s0] =	ssyncadd.remote.s32 $0x1  }
0xbe: {  	_ =	sfence.sel $0xFFFF  }
0xbf: {  	[dreg:$0x0] =	wrdreg $0xFFFFFFFF;
	(pc) =	sbr.abs _section_cstart, $3  }
0xc0: {  	[dreg:$0x1] =	wrdreg $0xFFFFFFFF  }
0xc1: {  	_ =	task.clear_ibuf [dreg:s6], $0x2FFFF;
	_ =	strace $0x9FFFFFFF  }
0xc2: {  	(tm) =	ssettm $0x7FFFFFFF  }
0xc3: {  	_ =	shalt  }
tec
execute0_lowered:
.L_overlay_start_1:
0x0: {  	(tag) =	ssettag $0x1  }
0x1: {  	s0 =	srdreg.scid;
	s5 =	rddreg [dreg:$0x0]  }
0x2: {  	s8 =	stileid.u32;
	s2 =	rddreg [dreg:$0x1];
	s3 =	simm.s32 $0x0  }
0x3: {  	s11 =	simm.s32 $0x5000;
	s12 =	simm.s32 $0x3;
	s13 =	simm.s32 $0x2800  }
0x4: {  	s14 =	simm.s32 $0x200;
	s15 =	simm.s32 $0x7000;
	s16 =	simm.s32 $0x1  }
0x5: {  	s18 =	simm.s32 $0x2;
	s29 =	simm.s32 $0x4200;
	s30 =	simm.s32 $0x1E00  }
0x6: {  	s31 =	simm.s32 $0x4400;
	s17 =	simm.s32 $0x2200;
	s19 =	simm.s32 $0x4800  }
0x7: {  	s20 =	simm.s32 $0x2400;
	s21 =	simm.s32 $0x4A00;
	s22 =	simm.s32 $0x2600  }
0x8: {  	s23 =	simm.s32 $0x4C00;
	s24 =	simm.s32 $0x4E00;
	s25 =	simm.s32 $0x0  }
0x9: {  	s0 =	sand.u32 $0x1, s0;
	s1 =	sshll.u32 s8, $0x1;
	s6 =	smul.u32 $0x2800, s8  }
0xa: {  	[smem:$0x7FF] =	sst s3;
	s4 =	sadd.s32 $0x16000, s5;
	s8 =	smul.u32 $0xA000, s8  }
0xb: {  	s1 =	sor.u32 s0, s1;
	s7 =	smul.u32 $0x28000, s0;
	s0 =	ssub.s32 $0x2, s0  }
0xc: {  	_ =	strace $0x8000004D;
	s1 =	smul.u32 $0x500, s1;
	s9 =	sshrl.u32 s0, $0x1  }
0xd: {  	s8 =	sshrl.u32 s8, $0x2;
	s7 =	sadd.s32 s6, s7;
	s0 =	ssub.s32 s0, s9  }
0xe: {  	s28 =	sadd.s32 s8, s2;
	s1 =	sadd.s32 s1, s5;
	s7 =	sshrl.u32 s7, $0x3  }
0xf: {  	s10 =	sadd.s32 s7, s5;
	s5 =	sadd.s32 s6, s2;
	s6 =	sadd.s32 $0x2000, s28  }
0x10: {  	s7 =	sadd.s32 $0xC000, s1;
	s8 =	sadd.s32 $0x2000, s1;
	s1 =	simm.s32 $0x2000  }
0x11: {  	v0 =	vimm.f32 $0.0e+00;
	s9 =	sadd.s32 $0x1B000, s10;
	s10 =	smax.u32 s0, $0x1;
	s0 =	simm.s32 $0x4600  }
.LBB2_1:
0x12: {  	s26 =	simm.s32 $0x40;
	s28 =	simm.s32 $0x0  }
.LBB2_2:
0x13: {  	p0 =	sne.s32 s26, $0x7FC0;
	[tilespmem:s28+$0x5000] =	vst v0;
	s28 =	smov.u32 s26;
	s26 =	sadd.s32 $0x40, s26  }
.Ltmp0:
0x14: {  	(pc) =	sbr.rel @p0 .LBB2_2-.Ltmp0, $2  }
0x15: {  	_ =	sdelay $0x2  }
0x16: {  	s28 =	sshra.s32 s28, $0x2  }
0x17: {  	[tilespmem:s28+$0x5000] =	vst v0  }
0x18: {  	[spmem:s5] =	stream.linear.scatter [tilespmem:s11], [sflag:$0x3], $0x2000, $0x38;
	[tilespmem:$0xB800] =	vst v63  }
0x19: {  	_ =	swait.ge [sflag:s12], $0x2000  }
0x1a: {  	[sflag:s12] =	ssyncset.done $0x0  }
0x1b: {  	[sflag:s12] =	ssyncadd.s32 $0xFFFFE000  }
0x1c: {  	[spmem:s6] =	stream.linear.scatter [tilespmem:s11], [sflag:$0x3], $0x800, $0x38;
	[tilespmem:$0xB800] =	vst v63  }
0x1d: {  	_ =	swait.ge [sflag:s12], $0x800  }
0x1e: {  	[sflag:s12] =	ssyncset.done $0x0  }
0x1f: {  	[sflag:s12] =	ssyncadd.s32 $0xFFFFF800  }
0x20: {  	[bflag:$0x0] =	sbarrier.arrive $0xFFFF  }
0x21: {  	[tilespmem:s3], [sflag:$0x3] =	stream.linear.gather [hbm4b:s7+s3], $0x2800, $0x38;
	[tilespmem:$0xB800] =	vst v63  }
0x22: {  	_ =	swait.ge [sflag:s12], $0x2800  }
0x23: {  	[sflag:s12] =	ssyncset.done $0x0  }
0x24: {  	[sflag:s12] =	ssyncadd.s32 $0xFFFFD800  }
0x25: {  	[tilespmem:s13], [sflag:$0x3] =	stream.linear.gather [hbm4b:s8+s3], $0x2800, $0x38;
	[tilespmem:$0xB800] =	vst v63  }
0x26: {  	_ =	swait.ge [sflag:s12], $0x2800  }
0x27: {  	[sflag:s12] =	ssyncset.done $0x0  }
0x28: {  	[sflag:s12] =	ssyncadd.s32 $0xFFFFD800  }
0x29: {  	[tilespmem:s11], [sflag:$0x1] =	stream.indirect.gather [hbm4b:s4+s14], $0x10, s3, s14, $0xb8;
	[tilespmem:$0xB800] =	vst v63  }
0x2a: {  	_ = 	snop  }
0x2b: {  	[tilespmem:s15], [sflag:$0x2] =	stream.indirect.gather [hbm4b:s4+s14], $0x10, s14, s14, $0xb8;
	[tilespmem:$0xB800] =	vst v63  }
0x2c: {  	_ =	swait.ge [sflag:s16], $0x2000  }
0x2d: {  	[sflag:s16] =	ssyncset.done $0x0  }
0x2e: {  	[sflag:s16] =	ssyncadd.s32 $0xFFFFE000  }
0x2f: {  	[spmem:s2] =	stream.indirect.scatter.add.f32 [tilespmem:s11], [sflag:$0x3], $0x10, s13, s14, $0xb8;
	[tilespmem:$0xB800] =	vst v63  }
0x30: {  	_ =	swait.ge [sflag:s12], $0x2000  }
0x31: {  	[sflag:s12] =	ssyncset.done $0x0  }
0x32: {  	s26 =	simm.s32 $0x400;
	[sflag:s12] =	ssyncadd.s32 $0xFFFFE000  }
0x33: {  	[tilespmem:s11], [sflag:$0x1] =	stream.indirect.gather [hbm4b:s4+s14], $0x10, s26, s14, $0xb8;
	[tilespmem:$0xB800] =	vst v63  }
0x34: {  	_ =	swait.ge [sflag:s18], $0x2000  }
0x35: {  	[sflag:s18] =	ssyncset.done $0x0  }
0x36: {  	s28 =	simm.s32 $0x2A00;
	[sflag:s18] =	ssyncadd.s32 $0xFFFFE000  }
0x37: {  	[spmem:s2] =	stream.indirect.scatter.add.f32 [tilespmem:s15], [sflag:$0x3], $0x10, s28, s14, $0xb8;
	[tilespmem:$0xB800] =	vst v63  }
0x38: {  	_ =	swait.ge [sflag:s12], $0x2000  }
0x39: {  	[sflag:s12] =	ssyncset.done $0x0  }
0x3a: {  	s28 =	simm.s32 $0x600;
	[sflag:s12] =	ssyncadd.s32 $0xFFFFE000  }
0x3b: {  	[tilespmem:s15], [sflag:$0x2] =	stream.indirect.gather [hbm4b:s4+s14], $0x10, s28, s14, $0xb8;
	[tilespmem:$0xB800] =	vst v63  }
0x3c: {  	_ =	swait.ge [sflag:s16], $0x2000  }
0x3d: {  	[sflag:s16] =	ssyncset.done $0x0  }
0x3e: {  	s28 =	simm.s32 $0x2C00;
	[sflag:s16] =	ssyncadd.s32 $0xFFFFE000  }
0x3f: {  	[spmem:s2] =	stream.indirect.scatter.add.f32 [tilespmem:s11], [sflag:$0x3], $0x10, s28, s14, $0xb8;
	[tilespmem:$0xB800] =	vst v63  }
0x40: {  	_ =	swait.ge [sflag:s12], $0x2000  }
0x41: {  	[sflag:s12] =	ssyncset.done $0x0  }
0x42: {  	s28 =	simm.s32 $0x800;
	[sflag:s12] =	ssyncadd.s32 $0xFFFFE000  }
0x43: {  	[tilespmem:s11], [sflag:$0x1] =	stream.indirect.gather [hbm4b:s4+s14], $0x10, s28, s14, $0xb8;
	[tilespmem:$0xB800] =	vst v63  }
0x44: {  	_ =	swait.ge [sflag:s18], $0x2000  }
0x45: {  	[sflag:s18] =	ssyncset.done $0x0  }
0x46: {  	s28 =	simm.s32 $0x2E00;
	[sflag:s18] =	ssyncadd.s32 $0xFFFFE000  }
0x47: {  	[spmem:s2] =	stream.indirect.scatter.add.f32 [tilespmem:s15], [sflag:$0x3], $0x10, s28, s14, $0xb8;
	[tilespmem:$0xB800] =	vst v63  }
0x48: {  	_ =	swait.ge [sflag:s12], $0x2000  }
0x49: {  	[sflag:s12] =	ssyncset.done $0x0  }
0x4a: {  	s28 =	simm.s32 $0xA00;
	[sflag:s12] =	ssyncadd.s32 $0xFFFFE000  }
0x4b: {  	[tilespmem:s15], [sflag:$0x2] =	stream.indirect.gather [hbm4b:s4+s14], $0x10, s28, s14, $0xb8;
	[tilespmem:$0xB800] =	vst v63  }
0x4c: {  	_ =	swait.ge [sflag:s16], $0x2000  }
0x4d: {  	[sflag:s16] =	ssyncset.done $0x0  }
0x4e: {  	s28 =	simm.s32 $0x3000;
	[sflag:s16] =	ssyncadd.s32 $0xFFFFE000  }
0x4f: {  	[spmem:s2] =	stream.indirect.scatter.add.f32 [tilespmem:s11], [sflag:$0x3], $0x10, s28, s14, $0xb8;
	[tilespmem:$0xB800] =	vst v63  }
0x50: {  	_ =	swait.ge [sflag:s12], $0x2000  }
0x51: {  	[sflag:s12] =	ssyncset.done $0x0  }
0x52: {  	s28 =	simm.s32 $0xC00;
	[sflag:s12] =	ssyncadd.s32 $0xFFFFE000  }
0x53: {  	[tilespmem:s11], [sflag:$0x1] =	stream.indirect.gather [hbm4b:s4+s14], $0x10, s28, s14, $0xb8;
	[tilespmem:$0xB800] =	vst v63  }
0x54: {  	_ =	swait.ge [sflag:s18], $0x2000  }
0x55: {  	[sflag:s18] =	ssyncset.done $0x0  }
0x56: {  	s28 =	simm.s32 $0x3200;
	[sflag:s18] =	ssyncadd.s32 $0xFFFFE000  }
0x57: {  	[spmem:s2] =	stream.indirect.scatter.add.f32 [tilespmem:s15], [sflag:$0x3], $0x10, s28, s14, $0xb8;
	[tilespmem:$0xB800] =	vst v63  }
0x58: {  	_ =	swait.ge [sflag:s12], $0x2000  }
0x59: {  	[sflag:s12] =	ssyncset.done $0x0  }
0x5a: {  	s28 =	simm.s32 $0xE00;
	[sflag:s12] =	ssyncadd.s32 $0xFFFFE000  }
0x5b: {  	[tilespmem:s15], [sflag:$0x2] =	stream.indirect.gather [hbm4b:s4+s14], $0x10, s28, s14, $0xb8;
	[tilespmem:$0xB800] =	vst v63  }
0x5c: {  	_ =	swait.ge [sflag:s16], $0x2000  }
0x5d: {  	[sflag:s16] =	ssyncset.done $0x0  }
0x5e: {  	s28 =	simm.s32 $0x3400;
	[sflag:s16] =	ssyncadd.s32 $0xFFFFE000  }
0x5f: {  	[spmem:s2] =	stream.indirect.scatter.add.f32 [tilespmem:s11], [sflag:$0x3], $0x10, s28, s14, $0xb8;
	[tilespmem:$0xB800] =	vst v63  }
0x60: {  	_ =	swait.ge [sflag:s12], $0x2000  }
0x61: {  	[sflag:s12] =	ssyncset.done $0x0  }
0x62: {  	s28 =	simm.s32 $0x1000;
	[sflag:s12] =	ssyncadd.s32 $0xFFFFE000  }
0x63: {  	[tilespmem:s11], [sflag:$0x1] =	stream.indirect.gather [hbm4b:s4+s14], $0x10, s28, s14, $0xb8;
	[tilespmem:$0xB800] =	vst v63  }
0x64: {  	_ =	swait.ge [sflag:s18], $0x2000  }
0x65: {  	[sflag:s18] =	ssyncset.done $0x0  }
0x66: {  	s28 =	simm.s32 $0x3600;
	[sflag:s18] =	ssyncadd.s32 $0xFFFFE000  }
0x67: {  	[spmem:s2] =	stream.indirect.scatter.add.f32 [tilespmem:s15], [sflag:$0x3], $0x10, s28, s14, $0xb8;
	[tilespmem:$0xB800] =	vst v63  }
0x68: {  	_ =	swait.ge [sflag:s12], $0x2000  }
0x69: {  	[sflag:s12] =	ssyncset.done $0x0  }
0x6a: {  	s28 =	simm.s32 $0x1200;
	[sflag:s12] =	ssyncadd.s32 $0xFFFFE000  }
0x6b: {  	[tilespmem:s15], [sflag:$0x2] =	stream.indirect.gather [hbm4b:s4+s14], $0x10, s28, s14, $0xb8;
	[tilespmem:$0xB800] =	vst v63  }
0x6c: {  	_ =	swait.ge [sflag:s16], $0x2000  }
0x6d: {  	[sflag:s16] =	ssyncset.done $0x0  }
0x6e: {  	s28 =	simm.s32 $0x3800;
	[sflag:s16] =	ssyncadd.s32 $0xFFFFE000  }
0x6f: {  	[spmem:s2] =	stream.indirect.scatter.add.f32 [tilespmem:s11], [sflag:$0x3], $0x10, s28, s14, $0xb8;
	[tilespmem:$0xB800] =	vst v63  }
0x70: {  	_ =	swait.ge [sflag:s12], $0x2000  }
0x71: {  	[sflag:s12] =	ssyncset.done $0x0  }
0x72: {  	s28 =	simm.s32 $0x1400;
	[sflag:s12] =	ssyncadd.s32 $0xFFFFE000  }
0x73: {  	[tilespmem:s11], [sflag:$0x1] =	stream.indirect.gather [hbm4b:s4+s14], $0x10, s28, s14, $0xb8;
	[tilespmem:$0xB800] =	vst v63  }
0x74: {  	_ =	swait.ge [sflag:s18], $0x2000  }
0x75: {  	[sflag:s18] =	ssyncset.done $0x0  }
0x76: {  	s28 =	simm.s32 $0x3A00;
	[sflag:s18] =	ssyncadd.s32 $0xFFFFE000  }
0x77: {  	[spmem:s2] =	stream.indirect.scatter.add.f32 [tilespmem:s15], [sflag:$0x3], $0x10, s28, s14, $0xb8;
	[tilespmem:$0xB800] =	vst v63  }
0x78: {  	_ =	swait.ge [sflag:s12], $0x2000  }
0x79: {  	[sflag:s12] =	ssyncset.done $0x0  }
0x7a: {  	s28 =	simm.s32 $0x1600;
	[sflag:s12] =	ssyncadd.s32 $0xFFFFE000  }
0x7b: {  	[tilespmem:s15], [sflag:$0x2] =	stream.indirect.gather [hbm4b:s4+s14], $0x10, s28, s14, $0xb8;
	[tilespmem:$0xB800] =	vst v63  }
0x7c: {  	_ =	swait.ge [sflag:s16], $0x2000  }
0x7d: {  	[sflag:s16] =	ssyncset.done $0x0  }
0x7e: {  	s28 =	simm.s32 $0x3C00;
	[sflag:s16] =	ssyncadd.s32 $0xFFFFE000  }
0x7f: {  	[spmem:s2] =	stream.indirect.scatter.add.f32 [tilespmem:s11], [sflag:$0x3], $0x10, s28, s14, $0xb8;
	[tilespmem:$0xB800] =	vst v63  }
0x80: {  	_ =	swait.ge [sflag:s12], $0x2000  }
0x81: {  	[sflag:s12] =	ssyncset.done $0x0  }
0x82: {  	s28 =	simm.s32 $0x1800;
	[sflag:s12] =	ssyncadd.s32 $0xFFFFE000  }
0x83: {  	[tilespmem:s11], [sflag:$0x1] =	stream.indirect.gather [hbm4b:s4+s14], $0x10, s28, s14, $0xb8;
	[tilespmem:$0xB800] =	vst v63  }
0x84: {  	_ =	swait.ge [sflag:s18], $0x2000  }
0x85: {  	[sflag:s18] =	ssyncset.done $0x0  }
0x86: {  	s28 =	simm.s32 $0x3E00;
	[sflag:s18] =	ssyncadd.s32 $0xFFFFE000  }
0x87: {  	[spmem:s2] =	stream.indirect.scatter.add.f32 [tilespmem:s15], [sflag:$0x3], $0x10, s28, s14, $0xb8;
	[tilespmem:$0xB800] =	vst v63  }
0x88: {  	_ =	swait.ge [sflag:s12], $0x2000  }
0x89: {  	[sflag:s12] =	ssyncset.done $0x0  }
0x8a: {  	s28 =	simm.s32 $0x1A00;
	[sflag:s12] =	ssyncadd.s32 $0xFFFFE000  }
0x8b: {  	[tilespmem:s15], [sflag:$0x2] =	stream.indirect.gather [hbm4b:s4+s14], $0x10, s28, s14, $0xb8;
	[tilespmem:$0xB800] =	vst v63  }
0x8c: {  	_ =	swait.ge [sflag:s16], $0x2000  }
0x8d: {  	[sflag:s16] =	ssyncset.done $0x0  }
0x8e: {  	s28 =	simm.s32 $0x4000;
	[sflag:s16] =	ssyncadd.s32 $0xFFFFE000  }
0x8f: {  	[spmem:s2] =	stream.indirect.scatter.add.f32 [tilespmem:s11], [sflag:$0x3], $0x10, s28, s14, $0xb8;
	[tilespmem:$0xB800] =	vst v63  }
0x90: {  	_ =	swait.ge [sflag:s12], $0x2000  }
0x91: {  	[sflag:s12] =	ssyncset.done $0x0  }
0x92: {  	s28 =	simm.s32 $0x1C00;
	[sflag:s12] =	ssyncadd.s32 $0xFFFFE000  }
0x93: {  	[tilespmem:s11], [sflag:$0x1] =	stream.indirect.gather [hbm4b:s4+s14], $0x10, s28, s14, $0xb8;
	[tilespmem:$0xB800] =	vst v63  }
0x94: {  	_ =	swait.ge [sflag:s18], $0x2000  }
0x95: {  	[sflag:s18] =	ssyncset.done $0x0  }
0x96: {  	[sflag:s18] =	ssyncadd.s32 $0xFFFFE000  }
0x97: {  	[spmem:s2] =	stream.indirect.scatter.add.f32 [tilespmem:s15], [sflag:$0x3], $0x10, s29, s14, $0xb8;
	[tilespmem:$0xB800] =	vst v63  }
0x98: {  	_ =	swait.ge [sflag:s12], $0x2000  }
0x99: {  	[sflag:s12] =	ssyncset.done $0x0  }
0x9a: {  	[sflag:s12] =	ssyncadd.s32 $0xFFFFE000  }
0x9b: {  	[tilespmem:s15], [sflag:$0x2] =	stream.indirect.gather [hbm4b:s4+s14], $0x10, s30, s14, $0xb8;
	[tilespmem:$0xB800] =	vst v63  }
0x9c: {  	_ =	swait.ge [sflag:s16], $0x2000  }
0x9d: {  	[sflag:s16] =	ssyncset.done $0x0  }
0x9e: {  	[sflag:s16] =	ssyncadd.s32 $0xFFFFE000  }
0x9f: {  	[spmem:s2] =	stream.indirect.scatter.add.f32 [tilespmem:s11], [sflag:$0x3], $0x10, s31, s14, $0xb8;
	[tilespmem:$0xB800] =	vst v63  }
0xa0: {  	_ =	swait.ge [sflag:s12], $0x2000  }
0xa1: {  	[sflag:s12] =	ssyncset.done $0x0  }
0xa2: {  	[sflag:s12] =	ssyncadd.s32 $0xFFFFE000  }
0xa3: {  	[tilespmem:s11], [sflag:$0x1] =	stream.indirect.gather [hbm4b:s4+s14], $0x10, s1, s14, $0xb8;
	[tilespmem:$0xB800] =	vst v63  }
0xa4: {  	_ =	swait.ge [sflag:s18], $0x2000  }
0xa5: {  	[sflag:s18] =	ssyncset.done $0x0  }
0xa6: {  	[sflag:s18] =	ssyncadd.s32 $0xFFFFE000  }
0xa7: {  	[spmem:s2] =	stream.indirect.scatter.add.f32 [tilespmem:s15], [sflag:$0x3], $0x10, s0, s14, $0xb8;
	[tilespmem:$0xB800] =	vst v63  }
0xa8: {  	_ =	swait.ge [sflag:s12], $0x2000  }
0xa9: {  	[sflag:s12] =	ssyncset.done $0x0  }
0xaa: {  	[sflag:s12] =	ssyncadd.s32 $0xFFFFE000  }
0xab: {  	[tilespmem:s15], [sflag:$0x2] =	stream.indirect.gather [hbm4b:s4+s14], $0x10, s17, s14, $0xb8;
	[tilespmem:$0xB800] =	vst v63  }
0xac: {  	_ =	swait.ge [sflag:s16], $0x2000  }
0xad: {  	[sflag:s16] =	ssyncset.done $0x0  }
0xae: {  	[sflag:s16] =	ssyncadd.s32 $0xFFFFE000  }
0xaf: {  	[spmem:s2] =	stream.indirect.scatter.add.f32 [tilespmem:s11], [sflag:$0x3], $0x10, s19, s14, $0xb8;
	[tilespmem:$0xB800] =	vst v63  }
0xb0: {  	_ =	swait.ge [sflag:s12], $0x2000  }
0xb1: {  	[sflag:s12] =	ssyncset.done $0x0  }
0xb2: {  	[sflag:s12] =	ssyncadd.s32 $0xFFFFE000  }
0xb3: {  	[tilespmem:s11], [sflag:$0x1] =	stream.indirect.gather [hbm4b:s4+s14], $0x10, s20, s14, $0xb8;
	[tilespmem:$0xB800] =	vst v63  }
0xb4: {  	_ =	swait.ge [sflag:s18], $0x2000  }
0xb5: {  	[sflag:s18] =	ssyncset.done $0x0  }
0xb6: {  	[sflag:s18] =	ssyncadd.s32 $0xFFFFE000  }
0xb7: {  	[spmem:s2] =	stream.indirect.scatter.add.f32 [tilespmem:s15], [sflag:$0x3], $0x10, s21, s14, $0xb8;
	[tilespmem:$0xB800] =	vst v63  }
0xb8: {  	_ =	swait.ge [sflag:s12], $0x2000  }
0xb9: {  	[sflag:s12] =	ssyncset.done $0x0  }
0xba: {  	[sflag:s12] =	ssyncadd.s32 $0xFFFFE000  }
0xbb: {  	[tilespmem:s15], [sflag:$0x2] =	stream.indirect.gather [hbm4b:s4+s14], $0x10, s22, s14, $0xb8;
	[tilespmem:$0xB800] =	vst v63  }
0xbc: {  	_ =	swait.ge [sflag:s16], $0x2000  }
0xbd: {  	[sflag:s16] =	ssyncset.done $0x0  }
0xbe: {  	[sflag:s16] =	ssyncadd.s32 $0xFFFFE000  }
0xbf: {  	[spmem:s2] =	stream.indirect.scatter.add.f32 [tilespmem:s11], [sflag:$0x3], $0x10, s23, s14, $0xb8;
	[tilespmem:$0xB800] =	vst v63  }
0xc0: {  	_ =	swait.ge [sflag:s12], $0x2000  }
0xc1: {  	[sflag:s12] =	ssyncset.done $0x0  }
0xc2: {  	[sflag:s12] =	ssyncadd.s32 $0xFFFFE000  }
0xc3: {  	_ =	swait.ge [sflag:s18], $0x2000  }
0xc4: {  	[sflag:s18] =	ssyncset.done $0x0  }
0xc5: {  	[sflag:s18] =	ssyncadd.s32 $0xFFFFE000  }
0xc6: {  	[spmem:s2] =	stream.indirect.scatter.add.f32 [tilespmem:s15], [sflag:$0x3], $0x10, s24, s14, $0xb8;
	[tilespmem:$0xB800] =	vst v63  }
0xc7: {  	s25 =	sadd.s32 $0x1, s25;
	_ =	swait.ge [sflag:s12], $0x2000  }
0xc8: {  	p0 =	sne.s32 s25, s10;
	s28 =	stileid.u32;
	[sflag:s12] =	ssyncset.done $0x0  }
0xc9: {  	s26 =	sshll.u32 s28, $0x6;
	s28 =	sshrl.u32 s5, $0x3;
	[sflag:s12] =	ssyncadd.s32 $0xFFFFE000  }
.Ltmp1:
0xca: {  	s26 =	sor.u32 $0x1C03, s26;
	[bflag:$0x0] =	sbarrier.arrive $0xFFFF;
	(pc) =	sbr.rel @p0 .LBB2_1-.Ltmp1, $4  }
0xcb: {  	[hbm:s9], [sflag:s26] =	dma.local [spmem:s28], $0x500  }
0xcc: {  	_ =	swait.ge [sflag:s12], $0x500  }
0xcd: {  	[sflag:s12] =	ssyncset.done $0x0  }
0xce: {  	[sflag:s12] =	ssyncadd.s32 $0xFFFFFB00  }
0xcf: {  	_ =	sfence.sel $0x180000  }
0xd0: {  	[bflag:$0x0] =	sbarrier.arrive $0xFFFF  }
0xd1: {  	_ =	strace $0x9000004D  }
0xd2: {  	s0 =	stileid.u32;
	[bflag:$0x2] =	sbarrier.arrive $0xFFFF  }
0xd3: {  	p0 =	sne.s32 s0, $0x0;
	s0 =	rddreg [dreg:$0x2]  }
0xd4: {  	s0 =	sadd.s32 @!p0 $0x100000, s0  }
0xd5: {  	[sflag:s0] =	ssyncadd.tile.s32 @!p0 $0x1;
	_ =	shalt  }
.Lfunc_end2:
_tile_overlayer_lowered:
.L_overlay_start_2:
0xd6: {  	(tag) =	ssettag $0x2  }
0xd7: {  	s0 =	rddreg [dreg:$0x0];
	s2 =	stileid.u32  }
0xd8: {  	s1 =	rddreg [dreg:$0x1];
	p0 =	sne.s32 s2, $0x0  }
0xd9: {  	s3 =	rddreg [dreg:$0x2];
	[bflag:$0x3] =	sbarrier.arrive $0xFFFF;
	s2 =	simm.s32 @!p0 $0x1C03  }
0xda: {  	[timem:s3], [sflag:s2] =	dma.local @!p0 [hbm:s0], s1  }
0xdb: {  	s0 =	simm.s32 @!p0 $0x3  }
0xdc: {  	_ =	swait.ge @!p0 [sflag:s0], s1  }
0xdd: {  	s1 =	ssub.s32 @!p0 $0x0, s1;
	[sflag:s0] =	ssyncset.done @!p0 $0x0  }
0xde: {  	[sflag:s0] =	ssyncadd.s32 @!p0 s1  }
0xdf: {  	[bflag:$0x3] =	sbarrier.arrive $0xFFFF  }
0xe0: {  	_ =	shalt  }

// kernel: kernel.8.cloned.1.call-start
scs
__scs_entry_jumppad:
0x0: {  	(pc) =	sbr.rel $0x88, $3  }
0x1: {  	(tag) =	ssettag $0x0;
	lr =	simm.s32 $0x1  }
0x2: {  	[smem:$0x3F99] =	sst lr;
	_ =	strace $0xD0000000  }
0x3: {  	_ = 	snop  }
0x4: {  	_ = 	snop  }
0x5: {  	_ = 	snop  }
0x6: {  	_ = 	snop  }
0x7: {  	_ = 	snop  }
__scs_overlays_trampoline_lowered:
0x8: {  	[smem:$0x3FA8] =	sst s0  }
0x9: {  	[smem:$0x3FA9] =	sst s1  }
0xa: {  	[smem:$0x3FAA] =	sst s2  }
0xb: {  	[smem:$0x3FAB] =	sst s3  }
0xc: {  	[smem:$0x3FAC] =	sst s4  }
0xd: {  	[smem:$0x3FAD] =	sst s5  }
0xe: {  	[smem:$0x3FAE] =	sst s6  }
0xf: {  	[smem:$0x3FAF] =	sst s7  }
0x10: {  	[smem:$0x3FB0] =	sst s8  }
0x11: {  	[smem:$0x3FB1] =	sst s9;
	s0 =	simm.s32 @!p0 $0x0  }
0x12: {  	s1 =	sld [smem:$0x3F97];
	s0 =	simm.s32 @p0 $0x1  }
0x13: {  	[smem:$0x3FB2] =	sst s0;
	s0 =	simm.s32 @!p1 $0x0  }
0x14: {  	s2 =	sld [smem:$0x3F96];
	s0 =	simm.s32 @p1 $0x1  }
0x15: {  	[smem:$0x3FB3] =	sst s0;
	s0 =	simm.s32 @!p2 $0x0  }
0x16: {  	s3 =	sld [smem:$0x3FDB];
	s0 =	simm.s32 @p2 $0x1  }
0x17: {  	s4 =	simm.s32 $0x1BF5;
	[smem:$0x3FB5] =	sst s0  }
0x18: {  	s0 =	sld [smem:$0x3F98];
	_ =	swait.ge [sflag:s4], $0x0  }
0x19: {  	s7 =	sld [smem:$0x3F99]  }
0x1a: {  	s8 =	sadd.s32 $0xFFFFE003, lr  }
0x1b: {  	s9 =	sadd.s32 $0xFFFFFEF7, lr;
	s5 =	simm.s32 $0xFFFFFFFF;
	p2 =	slt.u32 s8, $0xFFFFF086  }
0x1c: {  	p1 =	slt.u32 s9, $0xF7A;
	s5 =	simm.s32 @!p2 $0x0  }
0x1d: {  	s5 =	simm.s32 @p1 $0x1;
	p0 =	seq.s32 s7, s2  }
0x1e: {  	s7 =	smul.u32 @!p0 $0xF7A, s2;
	p2 =	seq.s32 @!p0 s5, $0x0  }
0x1f: {  	s9 =	smul.u32 $0xF7A, s1;
	s8 =	simm.s32 @!p0 $0x1BF5;
	p2 =	por !p2, p0  }
0x20: {  	[sflag:s8] =	ssyncset.s32 @!p0 $0xFFFFF086;
	s6 =	sadd.s32 @!p0 s3, s7;
	s7 =	simm.s32 @!p0 $0x108  }
0x21: {  	s3 =	sadd.s32 s3, s9;
	s6 =	sadd.s32 @!p0 $0x88, s6;
	s7 =	simm.s32 @p2 $0x1082  }
0x22: {  	[simem:s7], [sflag:s8] =	dma.local @!p0 [hbm:s6], $0xF7A  }
0x23: {  	s9 =	sor.u32 $0xD0000000, s2;
	s6 =	simm.s32 $0x108;
	_ =	swait.ge @!p0 [sflag:s8], $0x0  }
0x24: {  	s3 =	sadd.s32 $0x88, s3;
	s6 =	simm.s32 @!p1 $0x1082;
	[sflag:s4] =	ssyncset.s32 $0xFFFFF086  }
0x25: {  	[simem:s6], [sflag:s4] =	dma.local [hbm:s3], $0xF7A  }
0x26: {  	[smem:$0x3F99] =	sst s1;
	(tag) =	ssettag s2;
	_ =	strace s9  }
0x27: {  	s1 =	sld [smem:$0x3FA9]  }
0x28: {  	s2 =	sld [smem:$0x3FAA]  }
0x29: {  	s4 =	sld [smem:$0x3FAC]  }
0x2a: {  	p0 =	seq.s32 s5, $0x0;
	s5 =	sld [smem:$0x3FAD]  }
0x2b: {  	s6 =	sld [smem:$0x3FAE]  }
0x2c: {  	s7 =	sld [smem:$0x3FAF]  }
0x2d: {  	s3 =	simm.s32 $0x108;
	s8 =	sld [smem:$0x3FB0]  }
0x2e: {  	s3 =	simm.s32 @!p0 $0x1082;
	s9 =	sld [smem:$0x3FB1]  }
0x2f: {  	lr =	sadd.s32 s0, s3;
	s0 =	sld [smem:$0x3FA8]  }
0x30: {  	s3 =	sld [smem:$0x3FAB]  }
0x31: {  	[smem:$0x3FB4] =	sst s10  }
0x32: {  	s10 =	sld [smem:$0x3FB2];
	_ =	sdelay $0x3  }
0x33: {  	p0 =	seq.s32 s10, $0x1;
	s10 =	sld [smem:$0x3FB4];
	_ =	sdelay $0x3  }
0x34: {  	[smem:$0x3FB4] =	sst s10  }
0x35: {  	s10 =	sld [smem:$0x3FB3];
	_ =	sdelay $0x3  }
0x36: {  	p1 =	seq.s32 s10, $0x1;
	s10 =	sld [smem:$0x3FB4];
	_ =	sdelay $0x3  }
0x37: {  	[smem:$0x3FB4] =	sst s10  }
0x38: {  	s10 =	sld [smem:$0x3FB5]  }
0x39: {  	_ = 	snop;
	(pc) =	sbr.ind lr, $3  }
0x3a: {  	_ = 	snop  }
0x3b: {  	_ = 	snop  }
0x3c: {  	p2 =	seq.s32 s10, $0x1;
	s10 =	sld [smem:$0x3FB4]  }
0x3d: {  	_ =	shalt  }
0x3e: {  	_ =	shalt  }
0x3f: {  	_ =	shalt  }
0x40: {  	_ =	shalt  }
0x41: {  	_ =	shalt  }
0x42: {  	_ =	shalt  }
0x43: {  	_ =	shalt  }
0x44: {  	_ =	shalt  }
0x45: {  	_ =	shalt  }
0x46: {  	_ =	shalt  }
0x47: {  	_ =	shalt  }
0x48: {  	_ =	shalt  }
0x49: {  	_ =	shalt  }
0x4a: {  	_ =	shalt  }
0x4b: {  	_ =	shalt  }
0x4c: {  	_ =	shalt  }
0x4d: {  	_ =	shalt  }
0x4e: {  	_ =	shalt  }
0x4f: {  	_ =	shalt  }
0x50: {  	_ =	shalt  }
0x51: {  	_ =	shalt  }
0x52: {  	_ =	shalt  }
0x53: {  	_ =	shalt  }
0x54: {  	_ =	shalt  }
0x55: {  	_ =	shalt  }
0x56: {  	_ =	shalt  }
0x57: {  	_ =	shalt  }
0x58: {  	_ =	shalt  }
0x59: {  	_ =	shalt  }
0x5a: {  	_ =	shalt  }
0x5b: {  	_ =	shalt  }
0x5c: {  	_ =	shalt  }
0x5d: {  	_ =	shalt  }
0x5e: {  	_ =	shalt  }
0x5f: {  	_ =	shalt  }
0x60: {  	_ =	shalt  }
0x61: {  	_ =	shalt  }
0x62: {  	_ =	shalt  }
0x63: {  	_ =	shalt  }
0x64: {  	_ =	shalt  }
0x65: {  	_ =	shalt  }
0x66: {  	_ =	shalt  }
0x67: {  	_ =	shalt  }
0x68: {  	_ =	shalt  }
0x69: {  	_ =	shalt  }
0x6a: {  	_ =	shalt  }
0x6b: {  	_ =	shalt  }
0x6c: {  	_ =	shalt  }
0x6d: {  	_ =	shalt  }
0x6e: {  	_ =	shalt  }
0x6f: {  	_ =	shalt  }
0x70: {  	_ =	shalt  }
0x71: {  	_ =	shalt  }
0x72: {  	_ =	shalt  }
0x73: {  	_ =	shalt  }
0x74: {  	_ =	shalt  }
0x75: {  	_ =	shalt  }
0x76: {  	_ =	shalt  }
0x77: {  	_ =	shalt  }
0x78: {  	_ =	shalt  }
0x79: {  	_ =	shalt  }
0x7a: {  	_ =	shalt  }
0x7b: {  	_ =	shalt  }
0x7c: {  	_ =	shalt  }
0x7d: {  	_ =	shalt  }
0x7e: {  	_ =	shalt  }
0x7f: {  	_ =	shalt  }
0x80: {  	_ =	shalt  }
0x81: {  	_ =	shalt  }
0x82: {  	_ =	shalt  }
0x83: {  	_ =	shalt  }
0x84: {  	_ =	shalt  }
0x85: {  	_ =	shalt  }
0x86: {  	_ =	shalt  }
0x87: {  	_ =	shalt  }
.Lfunc_end0:
.L_simem_size_0:
called_computation_lowered:
.L_overlay_start_0:
0x88: {  	s2 =	sld [smem:$0x3FD9]  }
0x89: {  	s3 =	sld [smem:$0x3FFE];
	_ =	sdelay $0x1  }
0x8a: {  	s1 =	srdreg.scid  }
0x8b: {  	s0 =	sand.u32 $0x1, s1  }
0x8c: {  	s16 =	sshll.u32 s0, $0xA;
	s2 =	sadd.s32 s3, s2  }
0x8d: {  	s2 =	sadd.s32 s2, s16  }
0x8e: {  	[smem:$0x3FC0] =	sst s2  }
0x8f: {  	_ = 	snop  }
0x90: {  	(tm) =	ssettm $0x1  }
0x91: {  	s17 =	sld [smem:$0x3FFB];
	_ =	sdelay $0x3  }
0x92: {  	_ =	strace s17  }
0x93: {  	s2 =	sld [smem:$0x3FFC];
	_ =	sdelay $0x3  }
0x94: {  	_ =	strace s2  }
0x95: {  	s2 =	sld [smem:$0x3FFD];
	_ =	sdelay $0x3  }
0x96: {  	_ =	strace s2  }
0x97: {  	_ =	strace $0x8FFFFFFF  }
0x98: {  	s18 =	sld [smem:$0x3FDB];
	_ =	sdelay $0x1  }
0x99: {  	s19 =	simm.s32 $_scs_section_size  }
0x9a: {  	s4 =	simm.s32 $_size__tile_overlayer_lowered;
	s5 =	simm.s32 $_tile_overlayer_lowered  }
0x9b: {  	s22 =	simm.s32 $0x1BFF;
	s21 =	sshll.u32 s5, $0x1;
	s2 =	sadd.s32 s19, s18  }
0x9c: {  	s6 =	simm.s32 $0x0;
	s20 =	sshll.u32 s4, $0x1;
	s4 =	sadd.s32 s21, s2  }
0x9d: {  	[timem:s6], [sflag:s22] =	dma.local [hbm:s4], s20  }
0x9e: {  	_ =	swait.ge [sflag:s22], s20  }
0x9f: {  	s3 =	ssub.s32 $0x0, s20;
	[sflag:s22] =	ssyncset.done $0x0  }
0xa0: {  	[sflag:s22] =	ssyncadd.s32 s3;
	_ =	sdelay $0x1  }
0xa1: {  	s23 =	simm.s32 $0x1B8B  }
0xa2: {  	_ =	swait.ge [sflag:s23], $0x1  }
0xa3: {  	[sflag:s23] =	ssyncset.done $0x0  }
0xa4: {  	s25 =	simm.s32 $0x1B8E;
	s24 =	sld [smem:$0x3FFE];
	[sflag:s23] =	ssyncadd.s32 $0xFFFFFFFF  }
0xa5: {  	s26 =	simm.s32 $execute0_lowered;
	[smem:$0x3FD2] =	sst s25  }
0xa6: {  	s4 =	sshll.u32 s26, $0x1;
	_ =	strace $0x80000046;
	[dreg:$0x1] =	wrdreg $0xFFFFFFFF  }
0xa7: {  	s28 =	simm.s32 $_size_execute0_lowered;
	s2 =	sadd.s32 s2, s4;
	[dreg:$0x0] =	wrdreg $0x0  }
0xa8: {  	s4 =	sshll.u32 s28, $0x1;
	[dreg:$0x2] =	wrdreg s2  }
0xa9: {  	[dreg:$0x3] =	wrdreg s4  }
0xaa: {  	[dreg:$0x4] =	wrdreg $0xC0  }
0xab: {  	_ =	task [dreg:s6], $0x5FFFF  }
0xac: {  	[dreg:$0x1] =	wrdreg $0xFFFFFFFF  }
0xad: {  	[dreg:$0x0] =	wrdreg $0x60  }
0xae: {  	[dreg:$0x2] =	wrdreg s24  }
0xaf: {  	[dreg:$0x3] =	wrdreg $0x30000  }
0xb0: {  	[dreg:$0x4] =	wrdreg $0x9  }
0xb1: {  	_ =	task.clear_ibuf [dreg:s6], $0x5FFFF;
	_ =	strace $0x90000046  }
0xb2: {  	s29 =	simm.s32 $0x9;
	_ =	strace $0x80000048  }
0xb3: {  	_ =	swait.ge [sflag:s29], $0x1  }
0xb4: {  	[sflag:s29] =	ssyncadd.s32 $0xFFFFFFFF  }
0xb5: {  	_ =	strace $0x90000048  }
0xb6: {  	_ =	sfence  }
0xb7: {  	s30 =	sld [smem:$0x0];
	_ =	sdelay $0x2  }
0xb8: {  	s31 =	sshll.u32 s1, $0xD;
	s1 =	sshrl.u32 s1, $0x2  }
0xb9: {  	s3 =	sand.u32 $0x4000, s31;
	s1 =	sadd.s32 s1, s30  }
0xba: {  	s0 =	sor.u32 s3, s0;
	s1 =	sshll.u32 s1, $0x11  }
0xbb: {  	s0 =	sor.u32 s1, s0  }
0xbc: {  	s0 =	sadd.s32 $0x8F2B, s0  }
0xbd: {  	[sflag:s0] =	ssyncadd.remote.s32 $0x1  }
0xbe: {  	_ =	sfence.sel $0xFFFF  }
0xbf: {  	[dreg:$0x0] =	wrdreg $0xFFFFFFFF;
	(pc) =	sbr.abs _section_cstart, $3  }
0xc0: {  	[dreg:$0x1] =	wrdreg $0xFFFFFFFF  }
0xc1: {  	_ =	task.clear_ibuf [dreg:s6], $0x2FFFF;
	_ =	strace $0x9FFFFFFF  }
0xc2: {  	(tm) =	ssettm $0x7FFFFFFF  }
0xc3: {  	_ =	shalt  }
tec
execute0_lowered:
.L_overlay_start_1:
0x0: {  	(tag) =	ssettag $0x1  }
0x1: {  	s1 =	srdreg.scid  }
0x2: {  	s0 =	stileid.u32;
	s5 =	rddreg [dreg:$0x0]  }
0x3: {  	s2 =	rddreg [dreg:$0x1];
	s3 =	simm.s32 $0x0;
	s13 =	simm.s32 $0x2  }
0x4: {  	s14 =	simm.s32 $0x80;
	s15 =	simm.s32 $0x1;
	s4 =	sand.u32 $0x1, s1  }
0x5: {  	s28 =	sshll.u32 s0, $0x1;
	s7 =	smul.u32 $0x2800, s0;
	[smem:$0x7FF] =	sst s3  }
0x6: {  	s9 =	smul.u32 $0xA000, s0;
	s16 =	sshll.u32 s0, $0x6;
	s1 =	sor.u32 s4, s28  }
0x7: {  	s8 =	smul.u32 $0x28000, s4;
	s4 =	ssub.s32 $0x2, s4;
	s16 =	sor.u32 $0x1C02, s16  }
0x8: {  	s6 =	smul.u32 $0x500, s1;
	s1 =	rddreg [dreg:$0x2];
	_ =	strace $0x80000047  }
0x9: {  	s30 =	sshrl.u32 s4, $0x1;
	s9 =	sshrl.u32 s9, $0x2;
	s29 =	sadd.s32 s7, s8  }
0xa: {  	s12 =	ssub.s32 s4, s30;
	s31 =	sadd.s32 s9, s2;
	s4 =	sadd.s32 s7, s2  }
0xb: {  	s10 =	sadd.s32 s6, s5;
	s6 =	sshrl.u32 s29, $0x3;
	s7 =	sadd.s32 $0x1800, s31  }
0xc: {  	s8 =	sadd.s32 $0x2000, s31;
	s17 =	sshrl.u32 s4, $0x3;
	s11 =	sadd.s32 s6, s5  }
0xd: {  	s5 =	sadd.s32 $0x800, s31;
	s6 =	sadd.s32 $0x1000, s31;
	s9 =	sadd.s32 $0x2000, s10  }
0xe: {  	v0 =	vimm.f32 $0.0e+00;
	v1 =	vimm.f32 $1.000000000e+00;
	s10 =	sadd.s32 $0x16000, s11;
	s11 =	smax.u32 s12, $0x1;
	s12 =	simm.s32 $0x2800  }
.LBB2_1:
0xf: {  	s18 =	simm.s32 $0x40;
	s19 =	simm.s32 $0x0  }
.LBB2_2:
0x10: {  	p0 =	sne.s32 s18, $0x1FC0;
	[tilespmem:s19+$0x2800] =	vst v0;
	s19 =	smov.u32 s18;
	s18 =	sadd.s32 $0x40, s18  }
.Ltmp0:
0x11: {  	(pc) =	sbr.rel @p0 .LBB2_2-.Ltmp0, $2  }
0x12: {  	_ =	sdelay $0x2  }
0x13: {  	s19 =	sshra.s32 s19, $0x2  }
0x14: {  	[tilespmem:s19+$0x2800] =	vst v0  }
0x15: {  	[spmem:s4] =	stream.linear.scatter [tilespmem:s12], [sflag:$0x2], $0x800, $0x38;
	[tilespmem:$0x5800] =	vst v63  }
0x16: {  	_ =	swait.ge [sflag:s13], $0x800  }
0x17: {  	[sflag:s13] =	ssyncset.done $0x0  }
0x18: {  	[sflag:s13] =	ssyncadd.s32 $0xFFFFF800  }
0x19: {  	[spmem:s5] =	stream.linear.scatter [tilespmem:s12], [sflag:$0x2], $0x800, $0x38;
	[tilespmem:$0x5800] =	vst v63  }
0x1a: {  	_ =	swait.ge [sflag:s13], $0x800  }
0x1b: {  	[sflag:s13] =	ssyncset.done $0x0  }
0x1c: {  	[sflag:s13] =	ssyncadd.s32 $0xFFFFF800  }
0x1d: {  	[spmem:s6] =	stream.linear.scatter [tilespmem:s12], [sflag:$0x2], $0x800, $0x38;
	[tilespmem:$0x5800] =	vst v63  }
0x1e: {  	_ =	swait.ge [sflag:s13], $0x800  }
0x1f: {  	[sflag:s13] =	ssyncset.done $0x0  }
0x20: {  	[sflag:s13] =	ssyncadd.s32 $0xFFFFF800  }
0x21: {  	[spmem:s7] =	stream.linear.scatter [tilespmem:s12], [sflag:$0x2], $0x800, $0x38;
	[tilespmem:$0x5800] =	vst v63  }
0x22: {  	_ =	swait.ge [sflag:s13], $0x800  }
0x23: {  	[sflag:s13] =	ssyncset.done $0x0  }
0x24: {  	[sflag:s13] =	ssyncadd.s32 $0xFFFFF800  }
0x25: {  	[spmem:s8] =	stream.linear.scatter [tilespmem:s12], [sflag:$0x2], $0x800, $0x38;
	[tilespmem:$0x5800] =	vst v63  }
0x26: {  	_ =	swait.ge [sflag:s13], $0x800  }
0x27: {  	[sflag:s13] =	ssyncset.done $0x0  }
0x28: {  	s18 =	simm.s32 $0x40;
	s19 =	simm.s32 $0x0;
	[sflag:s13] =	ssyncadd.s32 $0xFFFFF800  }
.LBB2_4:
0x29: {  	p0 =	sne.s32 s18, $0x1FC0;
	[tilespmem:s19+$0x2800] =	vst v1;
	s19 =	smov.u32 s18;
	s18 =	sadd.s32 $0x40, s18  }
.Ltmp1:
0x2a: {  	(pc) =	sbr.rel @p0 .LBB2_4-.Ltmp1, $2  }
0x2b: {  	_ =	sdelay $0x2  }
0x2c: {  	s19 =	sshra.s32 s19, $0x2  }
0x2d: {  	[tilespmem:s19+$0x2800] =	vst v1;
	s18 =	simm.s32 $0x0  }
0x2e: {  	[tilespmem:s18], [sflag:$0x2] =	stream.linear.gather [hbm4b:s9+s18], $0x2800, $0x38;
	[tilespmem:$0x5800] =	vst v63  }
0x2f: {  	_ =	swait.ge [sflag:s13], $0x2800  }
0x30: {  	[sflag:s13] =	ssyncset.done $0x0  }
0x31: {  	[sflag:s13] =	ssyncadd.s32 $0xFFFFD800  }
0x32: {  	[bflag:$0x0] =	sbarrier.arrive $0xFFFF  }
.LBB2_6:
0x33: {  	p0 =	sne.s32 s18, $0x9E00  }
.Ltmp2:
0x34: {  	_ = 	snop;
	(pc) =	sbr.rel @p0 .LBB2_6-.Ltmp2, $3  }
0x35: {  	_ =	sdelay $0x1  }
0x36: {  	s19 =	sshra.s32 s18, $0x2;
	s18 =	sadd.s32 $0x200, s18  }
0x37: {  	[spmem:s2] =	stream.indirect.scatter.add.f32 [tilespmem:s12], [sflag:$0x1], $0x10, s19, s14, $0xb8;
	[tilespmem:$0x5800] =	vst v63  }
0x38: {  	_ =	swait.ge [sflag:s15], $0x800  }
0x39: {  	s18 =	simm.s32 $0x4F;
	[sflag:s15] =	ssyncset.done $0x0  }
.LBB2_8:
0x3a: {  	p0 =	sne.s32 s18, $0x1;
	s18 =	sadd.s32 $0xFFFFFFFF, s18;
	[sflag:s15] =	ssyncadd.s32 $0xFFFFF800  }
.Ltmp3:
0x3b: {  	(pc) =	sbr.rel @p0 .LBB2_8-.Ltmp3, $3  }
0x3c: {  	_ =	sdelay $0x1  }
0x3d: {  	_ =	swait.ge [sflag:s15], $0x800  }
0x3e: {  	[sflag:s15] =	ssyncset.done $0x0  }
0x3f: {  	s3 =	sadd.s32 $0x1, s3  }
0x40: {  	[sflag:s15] =	ssyncadd.s32 $0xFFFFF800;
	p0 =	sne.s32 s3, s11  }
.Ltmp4:
0x41: {  	[bflag:$0x0] =	sbarrier.arrive $0xFFFF;
	(pc) =	sbr.rel @p0 .LBB2_1-.Ltmp4, $4  }
0x42: {  	[hbm:s10], [sflag:s16] =	dma.local [spmem:s17], $0x500  }
0x43: {  	_ =	swait.ge [sflag:s13], $0x500  }
0x44: {  	[sflag:s13] =	ssyncset.done $0x0  }
0x45: {  	[sflag:s13] =	ssyncadd.s32 $0xFFFFFB00  }
0x46: {  	_ =	sfence.sel $0x180000  }
0x47: {  	[bflag:$0x0] =	sbarrier.arrive $0xFFFF  }
0x48: {  	p0 =	sne.s32 s0, $0x0;
	_ =	strace $0x90000047  }
0x49: {  	s0 =	sadd.s32 @!p0 $0x100000, s1;
	[bflag:$0x2] =	sbarrier.arrive $0xFFFF  }
0x4a: {  	[sflag:s0] =	ssyncadd.tile.s32 @!p0 $0x1;
	_ =	shalt  }
.Lfunc_end2:
_tile_overlayer_lowered:
.L_overlay_start_2:
0x4b: {  	(tag) =	ssettag $0x2  }
0x4c: {  	s0 =	rddreg [dreg:$0x0];
	s2 =	stileid.u32  }
0x4d: {  	s1 =	rddreg [dreg:$0x1];
	p0 =	sne.s32 s2, $0x0  }
0x4e: {  	s3 =	rddreg [dreg:$0x2];
	[bflag:$0x3] =	sbarrier.arrive $0xFFFF;
	s2 =	simm.s32 @!p0 $0x1C02  }
0x4f: {  	[timem:s3], [sflag:s2] =	dma.local @!p0 [hbm:s0], s1  }
0x50: {  	s0 =	simm.s32 @!p0 $0x2  }
0x51: {  	_ =	swait.ge @!p0 [sflag:s0], s1  }
0x52: {  	s1 =	ssub.s32 @!p0 $0x0, s1;
	[sflag:s0] =	ssyncset.done @!p0 $0x0  }
0x53: {  	[sflag:s0] =	ssyncadd.s32 @!p0 s1  }
0x54: {  	[bflag:$0x3] =	sbarrier.arrive $0xFFFF  }
0x55: {  	_ =	shalt  }

</sc_bundles>
